<compile_context>
chip_gen: v7x
topology: tpu7x:2x2x1
jax: 0.10.2.dev20260603
libtpu: 0.0.44.dev20260713+nightly
codegen_flags: <defaults>
</compile_context>

<pallas_src>
import dataclasses
import functools

import jax
import jax.numpy as jnp
from jax import lax
from jax.experimental import pallas as pl
from jax.experimental.pallas import tpu as pltpu
from jax.experimental.pallas import tpu_sc as plsc

MARGIN = 0.2
BATCH = 16384
DIM = 128
N_CLASSES = 1000

NC = 2
NS = 16
NW = NC * NS
TRIP_PER_W = BATCH // NW
NGROUP = TRIP_PER_W // 16
CHUNK = 256
NCHUNK = 3 * TRIP_PER_W // CHUNK

R = 4096
NB = BATCH // R


def _sc_gather(batch, idx_all, labels, beta):
    mesh = plsc.VectorSubcoreMesh(core_axis_name="c", subcore_axis_name="s")
    cp = pltpu.CompilerParams()
    if "needs_layout_passes" in pltpu.CompilerParams.__dataclass_fields__:
        cp = dataclasses.replace(cp, needs_layout_passes=False)

    @functools.partial(
        pl.kernel,
        compiler_params=cp,
        out_type=(
            jax.ShapeDtypeStruct((3 * BATCH, DIM), jnp.float32),
            jax.ShapeDtypeStruct((BATCH,), jnp.float32),
        ),
        mesh=mesh,
        scratch_types=[
            pltpu.VMEM((3 * TRIP_PER_W,), jnp.int32),
            pltpu.VMEM((CHUNK, DIM), jnp.float32),
            pltpu.VMEM((CHUNK, DIM), jnp.float32),
            pltpu.VMEM((BATCH,), jnp.int32),
            pltpu.VMEM((N_CLASSES,), jnp.float32),
            pltpu.VMEM((TRIP_PER_W,), jnp.float32),
            pltpu.SemaphoreType.DMA,
            pltpu.SemaphoreType.DMA,
        ],
    )
    def k(batch_hbm, idx_hbm, labels_hbm, beta_hbm, rows_out, beta_t_out,
          idx_v, rows0_v, rows1_v, labels_v, beta_v, bt_v, sem_g, sem_w):
        wid = lax.axis_index("s") * NC + lax.axis_index("c")
        tbase = wid * TRIP_PER_W
        bufs = (rows0_v, rows1_v)

        for c in range(3):
            pltpu.sync_copy(idx_hbm.at[pl.ds(c * BATCH + tbase, TRIP_PER_W)],
                            idx_v.at[pl.ds(c * TRIP_PER_W, TRIP_PER_W)])

        def idx_slice(k):
            return idx_v.at[pl.ds(k * CHUNK, CHUNK)]

        def out_slice(k):
            c, h = divmod(k, 3 * TRIP_PER_W // CHUNK // 3)
            sl = tbase // R
            off = tbase % R + h * CHUNK
            return rows_out.at[pl.ds(sl * (3 * R) + c * R + off, CHUNK)]

        gathers = [None] * NCHUNK
        writes = [None] * NCHUNK
        gathers[0] = pltpu.async_copy(batch_hbm.at[idx_slice(0)], bufs[0], sem_g)

        pltpu.sync_copy(labels_hbm, labels_v)
        pltpu.sync_copy(beta_hbm, beta_v)

        @pl.loop(0, NGROUP)
        def _(g):
            t0 = idx_v[pl.ds(g * 16, 16)]
            la = plsc.load_gather(labels_v, [t0])
            bt_v[pl.ds(g * 16, 16)] = plsc.load_gather(beta_v, [la])

        pltpu.sync_copy(bt_v, beta_t_out.at[pl.ds(tbase, TRIP_PER_W)])

        for k in range(NCHUNK):
            buf = bufs[k % 2]
            gathers[k].wait()
            writes[k] = pltpu.async_copy(buf, out_slice(k), sem_w)
            if k + 1 < NCHUNK:
                if k >= 1:
                    writes[k - 1].wait()
                gathers[k + 1] = pltpu.async_copy(
                    batch_hbm.at[idx_slice(k + 1)], bufs[(k + 1) % 2], sem_g)
        writes[NCHUNK - 2].wait()
        writes[NCHUNK - 1].wait()

    return k(batch, idx_all, labels, beta)


def _tc_reduce_body(x_ref, bt_ref, out_ref, acc_ref):
    i = pl.program_id(0)

    @pl.when(i == 0)
    def _():
        acc_ref[0] = 0.0
        acc_ref[1] = 0.0

    x = x_ref[...]
    a = x[:R]
    p = x[R:2 * R]
    n = x[2 * R:]
    bt = bt_ref[0, 0]
    dap = a - p
    dan = a - n
    sq = jnp.concatenate([dap * dap, dan * dan], axis=0)
    d2 = jnp.sum(sq.T, axis=0)
    d = jnp.sqrt(d2 + 1e-8)
    pos = jnp.maximum(d[:R] - bt + MARGIN, 0.0)
    neg = jnp.maximum(bt - d[R:] + MARGIN, 0.0)
    acc_ref[0] += jnp.sum(pos + neg)
    acc_ref[1] += jnp.sum((pos > 0.0).astype(jnp.float32)
                          + (neg > 0.0).astype(jnp.float32))

    @pl.when(i == NB - 1)
    def _():
        tot = acc_ref[0]
        cnt = acc_ref[1]
        out_ref[0, 0] = jnp.where(cnt == 0.0, tot, tot / jnp.maximum(cnt, 1.0))


def _tc_reduce(rows, beta_t):
    bt3 = beta_t.reshape(NB, 1, R)
    return pl.pallas_call(
        _tc_reduce_body,
        grid=(NB,),
        in_specs=[
            pl.BlockSpec((3 * R, DIM), lambda i: (i, 0)),
            pl.BlockSpec((1, 1, R), lambda i: (i, 0, 0)),
        ],
        out_specs=pl.BlockSpec(memory_space=pltpu.SMEM),
        out_shape=jax.ShapeDtypeStruct((1, 1), jnp.float32),
        scratch_shapes=[pltpu.SMEM((2,), jnp.float32)],
    )(rows, bt3)


def kernel(batch, beta, labels, triplets):
    idx_all = jnp.transpose(triplets).reshape(3 * BATCH)
    rows, beta_t = _sc_gather(batch, idx_all, labels, beta)
    loss = _tc_reduce(rows, beta_t)
    return loss[0, 0]

# --- scband reference (transcript-rebuilt; emitter-appended) ---
"""Pipeline reference for scband-criterion-28278064676994 (READ-ONLY COPY).

The authoritative reference and input builder live on the scoring server;
editing this copy changes nothing except your own understanding.
"""

import jax, jax.numpy as jnp
import numpy as np

MARGIN = 0.2
NU = 0.0
N_CLASSES = 1000
BETA_INIT = 1.2
BATCH = 16384
DIM = 128

def setup_inputs(seed: int = 0) -> dict:
    key = jax.random.key(seed)
    k1, k2, k3 = jax.random.split(key, 3)
    batch = jax.random.normal(k1, (BATCH, DIM), dtype=jnp.float32)
    labels = jax.random.randint(k2, (BATCH,), 0, N_CLASSES, dtype=jnp.int32)
    # sampled triplets (anchor, positive, negative) indices into the batch;
    # produced externally by the batchminer in the original code.
    triplets = jax.random.randint(k3, (BATCH, 3), 0, BATCH, dtype=jnp.int32)
    # trainable per-class beta parameter (beta_constant=False)
    beta = jnp.ones((N_CLASSES,), dtype=jnp.float32) * BETA_INIT
    return {"batch": batch, "beta": beta, "labels": labels, "triplets": triplets}

def reference(batch, beta, labels, triplets):
    a = jnp.take(batch, triplets[:, 0], axis=0)
    p = jnp.take(batch, triplets[:, 1], axis=0)
    n = jnp.take(batch, triplets[:, 2], axis=0)
    d_ap = jnp.sqrt(jnp.sum((a - p) ** 2, axis=1) + 1e-08)
    d_an = jnp.sqrt(jnp.sum((a - n) ** 2, axis=1) + 1e-08)
    anchor_labels = jnp.take(labels, triplets[:, 0])
    beta_t = jnp.take(beta, anchor_labels)
    pos_loss = jax.nn.relu(d_ap - beta_t + MARGIN)
    neg_loss = jax.nn.relu(beta_t - d_an + MARGIN)
    pair_count = jnp.sum((pos_loss > 0.0).astype(jnp.float32) + (neg_loss > 0.0).astype(jnp.float32))
    total = jnp.sum(pos_loss + neg_loss)
    safe_count = jnp.maximum(pair_count, 1.0)
    loss = jnp.where(pair_count == 0.0, total, total / safe_count)
    if NU:
        loss = loss + NU * jnp.sum(beta_t)
    return loss

if __name__ == "__main__":
    import jax
    _d = setup_inputs()
    print(jax.jit(kernel)(*tuple(_d.values())))

</pallas_src>

<mosaic_0001>
#map = affine_map<(d0, d1) -> (0, 0)>
#map1 = affine_map<(d0, d1) -> (0)>
module attributes {stable_mosaic.version = 14 : i64} {
  func.func @k(%arg0: i32, %arg1: i32, %arg2: memref<16384x128xf32, #tpu.memory_space<hbm>>, %arg3: memref<49152xi32, #tpu.memory_space<hbm>>, %arg4: memref<16384xi32, #tpu.memory_space<hbm>>, %arg5: memref<1000xf32, #tpu.memory_space<hbm>>, %arg6: memref<49152x128xf32, #tpu.memory_space<hbm>>, %arg7: memref<16384xf32, #tpu.memory_space<hbm>>, %arg8: memref<1536xi32, #tpu.memory_space<vmem>>, %arg9: memref<256x128xf32, #tpu.memory_space<vmem>>, %arg10: memref<256x128xf32, #tpu.memory_space<vmem>>, %arg11: memref<16384xi32, #tpu.memory_space<vmem>>, %arg12: memref<1000xf32, #tpu.memory_space<vmem>>, %arg13: memref<512xf32, #tpu.memory_space<vmem>>, %arg14: memref<!tpu.dma_semaphore, #tpu.memory_space<semaphore_mem>>, %arg15: memref<!tpu.dma_semaphore, #tpu.memory_space<semaphore_mem>>) attributes {dimension_semantics = [#tpu.dimension_semantics<core_parallel>, #tpu.dimension_semantics<subcore_parallel>], iteration_bounds = array<i64: 2, 16>, scalar_prefetch = 0 : i64, scratch_operands = 8 : i64, tpu.core_type = #tpu.core_type<sc_vector_subcore>, window_params = [{transform_indices = #map}, {transform_indices = #map1}, {transform_indices = #map1}, {transform_indices = #map1}, {transform_indices = #map}, {transform_indices = #map1}]} {
    %mul3A = arith.constant 2 : i32
    %mul3A_0 = arith.muli %arg1, %mul3A : i32
    %add3A = arith.addi %mul3A_0, %arg0 : i32
    %mul3A_1 = arith.constant 512 : i32
    %mul3A_2 = arith.muli %add3A, %mul3A_1 : i32
    %add3A_3 = arith.constant 0 : i32
    %add3A_4 = arith.addi %add3A_3, %mul3A_2 : i32
    "tpu.region"() ({
      %run_scoped3A = tpu.sem_alloc : memref<!tpu.dma_semaphore, #tpu.memory_space<semaphore_mem>>
      %dma_start3A_391 = arith.constant 0 : i32
      %dma_start3A_392 = tpu.memref_slice %arg8[%dma_start3A_391] : memref<1536xi32, #tpu.memory_space<vmem>> -> memref<512xi32, #tpu.memory_space<vmem>>
      %dma_start3A_393 = tpu.memref_slice %arg3[%add3A_4] : memref<49152xi32, #tpu.memory_space<hbm>> -> memref<512xi32, #tpu.memory_space<hbm>>
      %dma_start3A_394 = arith.constant 0 : i32
      %dma_start3A_395 = tpu.memref_slice %arg8[%dma_start3A_394] : memref<1536xi32, #tpu.memory_space<vmem>> -> memref<512xi32, #tpu.memory_space<vmem>>
      %dma_start3A_396 = tpu.memref_slice %arg3[%add3A_4] : memref<49152xi32, #tpu.memory_space<hbm>> -> memref<512xi32, #tpu.memory_space<hbm>>
      tpu.enqueue_dma source(%dma_start3A_396 : memref<512xi32, #tpu.memory_space<hbm>>) target(%dma_start3A_395 : memref<512xi32, #tpu.memory_space<vmem>>) target_semaphore(%run_scoped3A : memref<!tpu.dma_semaphore, #tpu.memory_space<semaphore_mem>>)
      %dma_wait3A_397 = arith.constant 0 : i32
      %dma_wait3A_398 = tpu.memref_slice %arg8[%dma_wait3A_397] : memref<1536xi32, #tpu.memory_space<vmem>> -> memref<512xi32, #tpu.memory_space<vmem>>
      %dma_wait3A_399 = tpu.memref_slice %arg3[%add3A_4] : memref<49152xi32, #tpu.memory_space<hbm>> -> memref<512xi32, #tpu.memory_space<hbm>>
      %dma_wait3A_400 = arith.constant 0 : i32
      %dma_wait3A_401 = tpu.memref_slice %arg8[%dma_wait3A_400] : memref<1536xi32, #tpu.memory_space<vmem>> -> memref<512xi32, #tpu.memory_space<vmem>>
      %dma_wait3A_402 = tpu.memref_slice %arg3[%add3A_4] : memref<49152xi32, #tpu.memory_space<hbm>> -> memref<512xi32, #tpu.memory_space<hbm>>
      tpu.wait_dma2 semaphore(%run_scoped3A : memref<!tpu.dma_semaphore, #tpu.memory_space<semaphore_mem>>) src(%dma_wait3A_402 : memref<512xi32, #tpu.memory_space<hbm>>) dst(%dma_wait3A_401 : memref<512xi32, #tpu.memory_space<vmem>>)
      tpu.yield
    }) : () -> ()
    %add3A_5 = arith.constant 16384 : i32
    %add3A_6 = arith.addi %add3A_5, %mul3A_2 : i32
    "tpu.region"() ({
      %run_scoped3A = tpu.sem_alloc : memref<!tpu.dma_semaphore, #tpu.memory_space<semaphore_mem>>
      %dma_start3A_391 = arith.constant 512 : i32
      %dma_start3A_392 = tpu.memref_slice %arg8[%dma_start3A_391] : memref<1536xi32, #tpu.memory_space<vmem>> -> memref<512xi32, #tpu.memory_space<vmem>>
      %dma_start3A_393 = tpu.memref_slice %arg3[%add3A_6] : memref<49152xi32, #tpu.memory_space<hbm>> -> memref<512xi32, #tpu.memory_space<hbm>>
      %dma_start3A_394 = arith.constant 512 : i32
      %dma_start3A_395 = tpu.memref_slice %arg8[%dma_start3A_394] : memref<1536xi32, #tpu.memory_space<vmem>> -> memref<512xi32, #tpu.memory_space<vmem>>
      %dma_start3A_396 = tpu.memref_slice %arg3[%add3A_6] : memref<49152xi32, #tpu.memory_space<hbm>> -> memref<512xi32, #tpu.memory_space<hbm>>
      tpu.enqueue_dma source(%dma_start3A_396 : memref<512xi32, #tpu.memory_space<hbm>>) target(%dma_start3A_395 : memref<512xi32, #tpu.memory_space<vmem>>) target_semaphore(%run_scoped3A : memref<!tpu.dma_semaphore, #tpu.memory_space<semaphore_mem>>)
      %dma_wait3A_397 = arith.constant 512 : i32
      %dma_wait3A_398 = tpu.memref_slice %arg8[%dma_wait3A_397] : memref<1536xi32, #tpu.memory_space<vmem>> -> memref<512xi32, #tpu.memory_space<vmem>>
      %dma_wait3A_399 = tpu.memref_slice %arg3[%add3A_6] : memref<49152xi32, #tpu.memory_space<hbm>> -> memref<512xi32, #tpu.memory_space<hbm>>
      %dma_wait3A_400 = arith.constant 512 : i32
      %dma_wait3A_401 = tpu.memref_slice %arg8[%dma_wait3A_400] : memref<1536xi32, #tpu.memory_space<vmem>> -> memref<512xi32, #tpu.memory_space<vmem>>
      %dma_wait3A_402 = tpu.memref_slice %arg3[%add3A_6] : memref<49152xi32, #tpu.memory_space<hbm>> -> memref<512xi32, #tpu.memory_space<hbm>>
      tpu.wait_dma2 semaphore(%run_scoped3A : memref<!tpu.dma_semaphore, #tpu.memory_space<semaphore_mem>>) src(%dma_wait3A_402 : memref<512xi32, #tpu.memory_space<hbm>>) dst(%dma_wait3A_401 : memref<512xi32, #tpu.memory_space<vmem>>)
      tpu.yield
    }) : () -> ()
    %add3A_7 = arith.constant 32768 : i32
    %add3A_8 = arith.addi %add3A_7, %mul3A_2 : i32
    "tpu.region"() ({
      %run_scoped3A = tpu.sem_alloc : memref<!tpu.dma_semaphore, #tpu.memory_space<semaphore_mem>>
      %dma_start3A_391 = arith.constant 1024 : i32
      %dma_start3A_392 = tpu.memref_slice %arg8[%dma_start3A_391] : memref<1536xi32, #tpu.memory_space<vmem>> -> memref<512xi32, #tpu.memory_space<vmem>>
      %dma_start3A_393 = tpu.memref_slice %arg3[%add3A_8] : memref<49152xi32, #tpu.memory_space<hbm>> -> memref<512xi32, #tpu.memory_space<hbm>>
      %dma_start3A_394 = arith.constant 1024 : i32
      %dma_start3A_395 = tpu.memref_slice %arg8[%dma_start3A_394] : memref<1536xi32, #tpu.memory_space<vmem>> -> memref<512xi32, #tpu.memory_space<vmem>>
      %dma_start3A_396 = tpu.memref_slice %arg3[%add3A_8] : memref<49152xi32, #tpu.memory_space<hbm>> -> memref<512xi32, #tpu.memory_space<hbm>>
      tpu.enqueue_dma source(%dma_start3A_396 : memref<512xi32, #tpu.memory_space<hbm>>) target(%dma_start3A_395 : memref<512xi32, #tpu.memory_space<vmem>>) target_semaphore(%run_scoped3A : memref<!tpu.dma_semaphore, #tpu.memory_space<semaphore_mem>>)
      %dma_wait3A_397 = arith.constant 1024 : i32
      %dma_wait3A_398 = tpu.memref_slice %arg8[%dma_wait3A_397] : memref<1536xi32, #tpu.memory_space<vmem>> -> memref<512xi32, #tpu.memory_space<vmem>>
      %dma_wait3A_399 = tpu.memref_slice %arg3[%add3A_8] : memref<49152xi32, #tpu.memory_space<hbm>> -> memref<512xi32, #tpu.memory_space<hbm>>
      %dma_wait3A_400 = arith.constant 1024 : i32
      %dma_wait3A_401 = tpu.memref_slice %arg8[%dma_wait3A_400] : memref<1536xi32, #tpu.memory_space<vmem>> -> memref<512xi32, #tpu.memory_space<vmem>>
      %dma_wait3A_402 = tpu.memref_slice %arg3[%add3A_8] : memref<49152xi32, #tpu.memory_space<hbm>> -> memref<512xi32, #tpu.memory_space<hbm>>
      tpu.wait_dma2 semaphore(%run_scoped3A : memref<!tpu.dma_semaphore, #tpu.memory_space<semaphore_mem>>) src(%dma_wait3A_402 : memref<512xi32, #tpu.memory_space<hbm>>) dst(%dma_wait3A_401 : memref<512xi32, #tpu.memory_space<vmem>>)
      tpu.yield
    }) : () -> ()
    %dma_start3A = arith.constant 0 : i32
    %dma_start3A_9 = tpu.memref_slice %arg8[%dma_start3A] : memref<1536xi32, #tpu.memory_space<vmem>> -> memref<256xi32, #tpu.memory_space<vmem>>
    %dma_start3A_10 = arith.constant 0 : i32
    %dma_start3A_11 = arith.constant 0 : i32
    %dma_start3A_12 = tpu.memref_slice %arg2[%dma_start3A_10, %dma_start3A_11] : memref<16384x128xf32, #tpu.memory_space<hbm>> -> memref<16384x128xf32, #tpu.memory_space<hbm>>
    tpu.enqueue_indirect_dma source(%dma_start3A_12 : memref<16384x128xf32, #tpu.memory_space<hbm>>) target(%arg9 : memref<256x128xf32, #tpu.memory_space<vmem>>) offsets(%dma_start3A_9 : memref<256xi32, #tpu.memory_space<vmem>>) semaphore(%arg14 : memref<!tpu.dma_semaphore, #tpu.memory_space<semaphore_mem>>)
    "tpu.region"() ({
      %run_scoped3A = tpu.sem_alloc : memref<!tpu.dma_semaphore, #tpu.memory_space<semaphore_mem>>
      tpu.enqueue_dma source(%arg4 : memref<16384xi32, #tpu.memory_space<hbm>>) target(%arg11 : memref<16384xi32, #tpu.memory_space<vmem>>) target_semaphore(%run_scoped3A : memref<!tpu.dma_semaphore, #tpu.memory_space<semaphore_mem>>)
      tpu.wait_dma2 semaphore(%run_scoped3A : memref<!tpu.dma_semaphore, #tpu.memory_space<semaphore_mem>>) src(%arg4 : memref<16384xi32, #tpu.memory_space<hbm>>) dst(%arg11 : memref<16384xi32, #tpu.memory_space<vmem>>)
      tpu.yield
    }) : () -> ()
    "tpu.region"() ({
      %run_scoped3A = tpu.sem_alloc : memref<!tpu.dma_semaphore, #tpu.memory_space<semaphore_mem>>
      tpu.enqueue_dma source(%arg5 : memref<1000xf32, #tpu.memory_space<hbm>>) target(%arg12 : memref<1000xf32, #tpu.memory_space<vmem>>) target_semaphore(%run_scoped3A : memref<!tpu.dma_semaphore, #tpu.memory_space<semaphore_mem>>)
      tpu.wait_dma2 semaphore(%run_scoped3A : memref<!tpu.dma_semaphore, #tpu.memory_space<semaphore_mem>>) src(%arg5 : memref<1000xf32, #tpu.memory_space<hbm>>) dst(%arg12 : memref<1000xf32, #tpu.memory_space<vmem>>)
      tpu.yield
    }) : () -> ()
    %scan3A = arith.constant 0 : i32
    %scan3A_13 = arith.constant 32 : i32
    %scan3A_14 = arith.addi %scan3A, %scan3A_13 : i32
    %scan3A_15 = arith.constant 1 : i32
    scf.for %scan3A_391 = %scan3A to %scan3A_14 step %scan3A_15  : i32 {
      %mul3A_392 = arith.constant 1 : i32
      %mul3A_393 = arith.muli %scan3A_391, %mul3A_392 : i32
      %add3A_394 = arith.constant 0 : i32
      %add3A_395 = arith.addi %add3A_394, %mul3A_393 : i32
      %mul3A_396 = arith.constant 16 : i32
      %mul3A_397 = arith.muli %add3A_395, %mul3A_396 : i32
      %get3A = arith.index_cast %mul3A_397 : i32 to index
      %get3A_398 = tpu.vector_load %arg8[%get3A] {strides = array<i32>} : memref<1536xi32, #tpu.memory_space<vmem>>, vector<16xi32>,
      %gather3A = tpu.vector_load_idx %arg11[%get3A_398] : memref<16384xi32, #tpu.memory_space<vmem>>[vector<16xi32>], vector<16xi32>,
      %gather3A_399 = tpu.vector_load_idx %arg12[%gather3A] : memref<1000xf32, #tpu.memory_space<vmem>>[vector<16xi32>], vector<16xf32>,
      %mul3A_400 = arith.constant 16 : i32
      %mul3A_401 = arith.muli %add3A_395, %mul3A_400 : i32
      %swap3A = arith.index_cast %mul3A_401 : i32 to index
      %swap3A_402 = tpu.vector_load %arg13[%swap3A] {strides = array<i32>} : memref<512xf32, #tpu.memory_space<vmem>>, vector<16xf32>,
      tpu.vector_store %arg13[%swap3A], %gather3A_399 {strides = array<i32>} : memref<512xf32, #tpu.memory_space<vmem>>, vector<16xf32>,
    }
    %scan3A_16 = arith.constant 32 : i32
    "tpu.region"() ({
      %run_scoped3A = tpu.sem_alloc : memref<!tpu.dma_semaphore, #tpu.memory_space<semaphore_mem>>
      %dma_start3A_391 = tpu.memref_slice %arg7[%mul3A_2] : memref<16384xf32, #tpu.memory_space<hbm>> -> memref<512xf32, #tpu.memory_space<hbm>>
      %dma_start3A_392 = tpu.memref_slice %arg7[%mul3A_2] : memref<16384xf32, #tpu.memory_space<hbm>> -> memref<512xf32, #tpu.memory_space<hbm>>
      tpu.enqueue_dma source(%arg13 : memref<512xf32, #tpu.memory_space<vmem>>) target(%dma_start3A_392 : memref<512xf32, #tpu.memory_space<hbm>>) target_semaphore(%run_scoped3A : memref<!tpu.dma_semaphore, #tpu.memory_space<semaphore_mem>>)
      %dma_wait3A_393 = tpu.memref_slice %arg7[%mul3A_2] : memref<16384xf32, #tpu.memory_space<hbm>> -> memref<512xf32, #tpu.memory_space<hbm>>
      %dma_wait3A_394 = tpu.memref_slice %arg7[%mul3A_2] : memref<16384xf32, #tpu.memory_space<hbm>> -> memref<512xf32, #tpu.memory_space<hbm>>
      tpu.wait_dma2 semaphore(%run_scoped3A : memref<!tpu.dma_semaphore, #tpu.memory_space<semaphore_mem>>) src(%arg13 : memref<512xf32, #tpu.memory_space<vmem>>) dst(%dma_wait3A_394 : memref<512xf32, #tpu.memory_space<hbm>>)
      tpu.yield
    }) : () -> ()
    %dma_wait3A = arith.constant 0 : i32
    %dma_wait3A_17 = tpu.memref_slice %arg8[%dma_wait3A] : memref<1536xi32, #tpu.memory_space<vmem>> -> memref<256xi32, #tpu.memory_space<vmem>>
    %dma_wait3A_18 = arith.constant 0 : i32
    %dma_wait3A_19 = arith.constant 0 : i32
    %dma_wait3A_20 = tpu.memref_slice %arg2[%dma_wait3A_18, %dma_wait3A_19] : memref<16384x128xf32, #tpu.memory_space<hbm>> -> memref<16384x128xf32, #tpu.memory_space<hbm>>
    tpu.wait_indirect_dma semaphore(%arg14 : memref<!tpu.dma_semaphore, #tpu.memory_space<semaphore_mem>>) src(%dma_wait3A_20 : memref<16384x128xf32, #tpu.memory_space<hbm>>) dst(%arg9 : memref<256x128xf32, #tpu.memory_space<vmem>>)
    %jit3A = arith.constant 4096 : i32
    %div3A = arith.divsi %mul3A_2, %jit3A : i32
    %sign3A = arith.constant 0 : i32
    %sign3A_21 = arith.cmpi sgt, %mul3A_2, %sign3A : i32
    %sign3A_22 = arith.extui %sign3A_21 : i1 to i32
    %sign3A_23 = arith.constant 0 : i32
    %sign3A_24 = arith.cmpi slt, %mul3A_2, %sign3A_23 : i32
    %sign3A_25 = arith.extui %sign3A_24 : i1 to i32
    %sign3A_26 = arith.subi %sign3A_22, %sign3A_25 : i32
    %sign3A_27 = arith.constant 0 : i32
    %sign3A_28 = arith.cmpi sgt, %jit3A, %sign3A_27 : i32
    %sign3A_29 = arith.extui %sign3A_28 : i1 to i32
    %sign3A_30 = arith.constant 0 : i32
    %sign3A_31 = arith.cmpi slt, %jit3A, %sign3A_30 : i32
    %sign3A_32 = arith.extui %sign3A_31 : i1 to i32
    %sign3A_33 = arith.subi %sign3A_29, %sign3A_32 : i32
    %ne3A = arith.cmpi ne, %sign3A_26, %sign3A_33 : i32
    %rem3A = arith.remsi %mul3A_2, %jit3A : i32
    %ne3A_34 = arith.constant 0 : i32
    %ne3A_35 = arith.cmpi ne, %rem3A, %ne3A_34 : i32
    %and3A = arith.andi %ne3A, %ne3A_35 : i1
    %sub3A = arith.constant 1 : i32
    %sub3A_36 = arith.subi %div3A, %sub3A : i32
    %select_n3A = arith.select %and3A, %sub3A_36, %div3A : i32
    %jit3A_37 = arith.constant 4096 : i32
    %eq3A = arith.constant 0 : i32
    %eq3A_38 = arith.cmpi eq, %jit3A_37, %eq3A : i32
    %jit3A_39 = arith.constant 1 : i32
    %select_n3A_40 = arith.select %eq3A_38, %jit3A_39, %jit3A_37 : i32
    %rem3A_41 = arith.remsi %mul3A_2, %select_n3A_40 : i32
    %ne3A_42 = arith.constant 0 : i32
    %ne3A_43 = arith.cmpi ne, %rem3A_41, %ne3A_42 : i32
    %lt3A = arith.constant 0 : i32
    %lt3A_44 = arith.cmpi slt, %rem3A_41, %lt3A : i32
    %lt3A_45 = arith.constant 0 : i32
    %lt3A_46 = arith.cmpi slt, %select_n3A_40, %lt3A_45 : i32
    %ne3A_47 = arith.xori %lt3A_44, %lt3A_46 : i1
    %and3A_48 = arith.andi %ne3A_47, %ne3A_43 : i1
    %add3A_49 = arith.addi %rem3A_41, %select_n3A_40 : i32
    %select_n3A_50 = arith.select %and3A_48, %add3A_49, %rem3A_41 : i32
    %add3A_51 = arith.constant 0 : i32
    %add3A_52 = arith.addi %select_n3A_50, %add3A_51 : i32
    %mul3A_53 = arith.constant 12288 : i32
    %mul3A_54 = arith.muli %select_n3A, %mul3A_53 : i32
    %add3A_55 = arith.constant 0 : i32
    %add3A_56 = arith.addi %mul3A_54, %add3A_55 : i32
    %add3A_57 = arith.addi %add3A_56, %add3A_52 : i32
    %dma_start3A_58 = arith.constant 0 : i32
    %dma_start3A_59 = tpu.memref_slice %arg6[%add3A_57, %dma_start3A_58] : memref<49152x128xf32, #tpu.memory_space<hbm>> -> memref<256x128xf32, #tpu.memory_space<hbm>>
    %dma_start3A_60 = arith.constant 0 : i32
    %dma_start3A_61 = tpu.memref_slice %arg6[%add3A_57, %dma_start3A_60] : memref<49152x128xf32, #tpu.memory_space<hbm>> -> memref<256x128xf32, #tpu.memory_space<hbm>>
    tpu.enqueue_dma source(%arg9 : memref<256x128xf32, #tpu.memory_space<vmem>>) target(%dma_start3A_61 : memref<256x128xf32, #tpu.memory_space<hbm>>) target_semaphore(%arg15 : memref<!tpu.dma_semaphore, #tpu.memory_space<semaphore_mem>>)
    %dma_start3A_62 = arith.constant 256 : i32
    %dma_start3A_63 = tpu.memref_slice %arg8[%dma_start3A_62] : memref<1536xi32, #tpu.memory_space<vmem>> -> memref<256xi32, #tpu.memory_space<vmem>>
    %dma_start3A_64 = arith.constant 0 : i32
    %dma_start3A_65 = arith.constant 0 : i32
    %dma_start3A_66 = tpu.memref_slice %arg2[%dma_start3A_64, %dma_start3A_65] : memref<16384x128xf32, #tpu.memory_space<hbm>> -> memref<16384x128xf32, #tpu.memory_space<hbm>>
    tpu.enqueue_indirect_dma source(%dma_start3A_66 : memref<16384x128xf32, #tpu.memory_space<hbm>>) target(%arg10 : memref<256x128xf32, #tpu.memory_space<vmem>>) offsets(%dma_start3A_63 : memref<256xi32, #tpu.memory_space<vmem>>) semaphore(%arg14 : memref<!tpu.dma_semaphore, #tpu.memory_space<semaphore_mem>>)
    %dma_wait3A_67 = arith.constant 256 : i32
    %dma_wait3A_68 = tpu.memref_slice %arg8[%dma_wait3A_67] : memref<1536xi32, #tpu.memory_space<vmem>> -> memref<256xi32, #tpu.memory_space<vmem>>
    %dma_wait3A_69 = arith.constant 0 : i32
    %dma_wait3A_70 = arith.constant 0 : i32
    %dma_wait3A_71 = tpu.memref_slice %arg2[%dma_wait3A_69, %dma_wait3A_70] : memref<16384x128xf32, #tpu.memory_space<hbm>> -> memref<16384x128xf32, #tpu.memory_space<hbm>>
    tpu.wait_indirect_dma semaphore(%arg14 : memref<!tpu.dma_semaphore, #tpu.memory_space<semaphore_mem>>) src(%dma_wait3A_71 : memref<16384x128xf32, #tpu.memory_space<hbm>>) dst(%arg10 : memref<256x128xf32, #tpu.memory_space<vmem>>)
    %jit3A_72 = arith.constant 4096 : i32
    %div3A_73 = arith.divsi %mul3A_2, %jit3A_72 : i32
    %sign3A_74 = arith.constant 0 : i32
    %sign3A_75 = arith.cmpi sgt, %mul3A_2, %sign3A_74 : i32
    %sign3A_76 = arith.extui %sign3A_75 : i1 to i32
    %sign3A_77 = arith.constant 0 : i32
    %sign3A_78 = arith.cmpi slt, %mul3A_2, %sign3A_77 : i32
    %sign3A_79 = arith.extui %sign3A_78 : i1 to i32
    %sign3A_80 = arith.subi %sign3A_76, %sign3A_79 : i32
    %sign3A_81 = arith.constant 0 : i32
    %sign3A_82 = arith.cmpi sgt, %jit3A_72, %sign3A_81 : i32
    %sign3A_83 = arith.extui %sign3A_82 : i1 to i32
    %sign3A_84 = arith.constant 0 : i32
    %sign3A_85 = arith.cmpi slt, %jit3A_72, %sign3A_84 : i32
    %sign3A_86 = arith.extui %sign3A_85 : i1 to i32
    %sign3A_87 = arith.subi %sign3A_83, %sign3A_86 : i32
    %ne3A_88 = arith.cmpi ne, %sign3A_80, %sign3A_87 : i32
    %rem3A_89 = arith.remsi %mul3A_2, %jit3A_72 : i32
    %ne3A_90 = arith.constant 0 : i32
    %ne3A_91 = arith.cmpi ne, %rem3A_89, %ne3A_90 : i32
    %and3A_92 = arith.andi %ne3A_88, %ne3A_91 : i1
    %sub3A_93 = arith.constant 1 : i32
    %sub3A_94 = arith.subi %div3A_73, %sub3A_93 : i32
    %select_n3A_95 = arith.select %and3A_92, %sub3A_94, %div3A_73 : i32
    %jit3A_96 = arith.constant 4096 : i32
    %eq3A_97 = arith.constant 0 : i32
    %eq3A_98 = arith.cmpi eq, %jit3A_96, %eq3A_97 : i32
    %jit3A_99 = arith.constant 1 : i32
    %select_n3A_100 = arith.select %eq3A_98, %jit3A_99, %jit3A_96 : i32
    %rem3A_101 = arith.remsi %mul3A_2, %select_n3A_100 : i32
    %ne3A_102 = arith.constant 0 : i32
    %ne3A_103 = arith.cmpi ne, %rem3A_101, %ne3A_102 : i32
    %lt3A_104 = arith.constant 0 : i32
    %lt3A_105 = arith.cmpi slt, %rem3A_101, %lt3A_104 : i32
    %lt3A_106 = arith.constant 0 : i32
    %lt3A_107 = arith.cmpi slt, %select_n3A_100, %lt3A_106 : i32
    %ne3A_108 = arith.xori %lt3A_105, %lt3A_107 : i1
    %and3A_109 = arith.andi %ne3A_108, %ne3A_103 : i1
    %add3A_110 = arith.addi %rem3A_101, %select_n3A_100 : i32
    %select_n3A_111 = arith.select %and3A_109, %add3A_110, %rem3A_101 : i32
    %add3A_112 = arith.constant 256 : i32
    %add3A_113 = arith.addi %select_n3A_111, %add3A_112 : i32
    %mul3A_114 = arith.constant 12288 : i32
    %mul3A_115 = arith.muli %select_n3A_95, %mul3A_114 : i32
    %add3A_116 = arith.constant 0 : i32
    %add3A_117 = arith.addi %mul3A_115, %add3A_116 : i32
    %add3A_118 = arith.addi %add3A_117, %add3A_113 : i32
    %dma_start3A_119 = arith.constant 0 : i32
    %dma_start3A_120 = tpu.memref_slice %arg6[%add3A_118, %dma_start3A_119] : memref<49152x128xf32, #tpu.memory_space<hbm>> -> memref<256x128xf32, #tpu.memory_space<hbm>>
    %dma_start3A_121 = arith.constant 0 : i32
    %dma_start3A_122 = tpu.memref_slice %arg6[%add3A_118, %dma_start3A_121] : memref<49152x128xf32, #tpu.memory_space<hbm>> -> memref<256x128xf32, #tpu.memory_space<hbm>>
    tpu.enqueue_dma source(%arg10 : memref<256x128xf32, #tpu.memory_space<vmem>>) target(%dma_start3A_122 : memref<256x128xf32, #tpu.memory_space<hbm>>) target_semaphore(%arg15 : memref<!tpu.dma_semaphore, #tpu.memory_space<semaphore_mem>>)
    %dma_wait3A_123 = arith.constant 0 : i32
    %dma_wait3A_124 = tpu.memref_slice %arg6[%add3A_57, %dma_wait3A_123] : memref<49152x128xf32, #tpu.memory_space<hbm>> -> memref<256x128xf32, #tpu.memory_space<hbm>>
    %dma_wait3A_125 = arith.constant 0 : i32
    %dma_wait3A_126 = tpu.memref_slice %arg6[%add3A_57, %dma_wait3A_125] : memref<49152x128xf32, #tpu.memory_space<hbm>> -> memref<256x128xf32, #tpu.memory_space<hbm>>
    tpu.wait_dma2 semaphore(%arg15 : memref<!tpu.dma_semaphore, #tpu.memory_space<semaphore_mem>>) src(%arg9 : memref<256x128xf32, #tpu.memory_space<vmem>>) dst(%dma_wait3A_126 : memref<256x128xf32, #tpu.memory_space<hbm>>)
    %dma_start3A_127 = arith.constant 512 : i32
    %dma_start3A_128 = tpu.memref_slice %arg8[%dma_start3A_127] : memref<1536xi32, #tpu.memory_space<vmem>> -> memref<256xi32, #tpu.memory_space<vmem>>
    %dma_start3A_129 = arith.constant 0 : i32
    %dma_start3A_130 = arith.constant 0 : i32
    %dma_start3A_131 = tpu.memref_slice %arg2[%dma_start3A_129, %dma_start3A_130] : memref<16384x128xf32, #tpu.memory_space<hbm>> -> memref<16384x128xf32, #tpu.memory_space<hbm>>
    tpu.enqueue_indirect_dma source(%dma_start3A_131 : memref<16384x128xf32, #tpu.memory_space<hbm>>) target(%arg9 : memref<256x128xf32, #tpu.memory_space<vmem>>) offsets(%dma_start3A_128 : memref<256xi32, #tpu.memory_space<vmem>>) semaphore(%arg14 : memref<!tpu.dma_semaphore, #tpu.memory_space<semaphore_mem>>)
    %dma_wait3A_132 = arith.constant 512 : i32
    %dma_wait3A_133 = tpu.memref_slice %arg8[%dma_wait3A_132] : memref<1536xi32, #tpu.memory_space<vmem>> -> memref<256xi32, #tpu.memory_space<vmem>>
    %dma_wait3A_134 = arith.constant 0 : i32
    %dma_wait3A_135 = arith.constant 0 : i32
    %dma_wait3A_136 = tpu.memref_slice %arg2[%dma_wait3A_134, %dma_wait3A_135] : memref<16384x128xf32, #tpu.memory_space<hbm>> -> memref<16384x128xf32, #tpu.memory_space<hbm>>
    tpu.wait_indirect_dma semaphore(%arg14 : memref<!tpu.dma_semaphore, #tpu.memory_space<semaphore_mem>>) src(%dma_wait3A_136 : memref<16384x128xf32, #tpu.memory_space<hbm>>) dst(%arg9 : memref<256x128xf32, #tpu.memory_space<vmem>>)
    %jit3A_137 = arith.constant 4096 : i32
    %div3A_138 = arith.divsi %mul3A_2, %jit3A_137 : i32
    %sign3A_139 = arith.constant 0 : i32
    %sign3A_140 = arith.cmpi sgt, %mul3A_2, %sign3A_139 : i32
    %sign3A_141 = arith.extui %sign3A_140 : i1 to i32
    %sign3A_142 = arith.constant 0 : i32
    %sign3A_143 = arith.cmpi slt, %mul3A_2, %sign3A_142 : i32
    %sign3A_144 = arith.extui %sign3A_143 : i1 to i32
    %sign3A_145 = arith.subi %sign3A_141, %sign3A_144 : i32
    %sign3A_146 = arith.constant 0 : i32
    %sign3A_147 = arith.cmpi sgt, %jit3A_137, %sign3A_146 : i32
    %sign3A_148 = arith.extui %sign3A_147 : i1 to i32
    %sign3A_149 = arith.constant 0 : i32
    %sign3A_150 = arith.cmpi slt, %jit3A_137, %sign3A_149 : i32
    %sign3A_151 = arith.extui %sign3A_150 : i1 to i32
    %sign3A_152 = arith.subi %sign3A_148, %sign3A_151 : i32
    %ne3A_153 = arith.cmpi ne, %sign3A_145, %sign3A_152 : i32
    %rem3A_154 = arith.remsi %mul3A_2, %jit3A_137 : i32
    %ne3A_155 = arith.constant 0 : i32
    %ne3A_156 = arith.cmpi ne, %rem3A_154, %ne3A_155 : i32
    %and3A_157 = arith.andi %ne3A_153, %ne3A_156 : i1
    %sub3A_158 = arith.constant 1 : i32
    %sub3A_159 = arith.subi %div3A_138, %sub3A_158 : i32
    %select_n3A_160 = arith.select %and3A_157, %sub3A_159, %div3A_138 : i32
    %jit3A_161 = arith.constant 4096 : i32
    %eq3A_162 = arith.constant 0 : i32
    %eq3A_163 = arith.cmpi eq, %jit3A_161, %eq3A_162 : i32
    %jit3A_164 = arith.constant 1 : i32
    %select_n3A_165 = arith.select %eq3A_163, %jit3A_164, %jit3A_161 : i32
    %rem3A_166 = arith.remsi %mul3A_2, %select_n3A_165 : i32
    %ne3A_167 = arith.constant 0 : i32
    %ne3A_168 = arith.cmpi ne, %rem3A_166, %ne3A_167 : i32
    %lt3A_169 = arith.constant 0 : i32
    %lt3A_170 = arith.cmpi slt, %rem3A_166, %lt3A_169 : i32
    %lt3A_171 = arith.constant 0 : i32
    %lt3A_172 = arith.cmpi slt, %select_n3A_165, %lt3A_171 : i32
    %ne3A_173 = arith.xori %lt3A_170, %lt3A_172 : i1
    %and3A_174 = arith.andi %ne3A_173, %ne3A_168 : i1
    %add3A_175 = arith.addi %rem3A_166, %select_n3A_165 : i32
    %select_n3A_176 = arith.select %and3A_174, %add3A_175, %rem3A_166 : i32
    %add3A_177 = arith.constant 0 : i32
    %add3A_178 = arith.addi %select_n3A_176, %add3A_177 : i32
    %mul3A_179 = arith.constant 12288 : i32
    %mul3A_180 = arith.muli %select_n3A_160, %mul3A_179 : i32
    %add3A_181 = arith.constant 4096 : i32
    %add3A_182 = arith.addi %mul3A_180, %add3A_181 : i32
    %add3A_183 = arith.addi %add3A_182, %add3A_178 : i32
    %dma_start3A_184 = arith.constant 0 : i32
    %dma_start3A_185 = tpu.memref_slice %arg6[%add3A_183, %dma_start3A_184] : memref<49152x128xf32, #tpu.memory_space<hbm>> -> memref<256x128xf32, #tpu.memory_space<hbm>>
    %dma_start3A_186 = arith.constant 0 : i32
    %dma_start3A_187 = tpu.memref_slice %arg6[%add3A_183, %dma_start3A_186] : memref<49152x128xf32, #tpu.memory_space<hbm>> -> memref<256x128xf32, #tpu.memory_space<hbm>>
    tpu.enqueue_dma source(%arg9 : memref<256x128xf32, #tpu.memory_space<vmem>>) target(%dma_start3A_187 : memref<256x128xf32, #tpu.memory_space<hbm>>) target_semaphore(%arg15 : memref<!tpu.dma_semaphore, #tpu.memory_space<semaphore_mem>>)
    %dma_wait3A_188 = arith.constant 0 : i32
    %dma_wait3A_189 = tpu.memref_slice %arg6[%add3A_118, %dma_wait3A_188] : memref<49152x128xf32, #tpu.memory_space<hbm>> -> memref<256x128xf32, #tpu.memory_space<hbm>>
    %dma_wait3A_190 = arith.constant 0 : i32
    %dma_wait3A_191 = tpu.memref_slice %arg6[%add3A_118, %dma_wait3A_190] : memref<49152x128xf32, #tpu.memory_space<hbm>> -> memref<256x128xf32, #tpu.memory_space<hbm>>
    tpu.wait_dma2 semaphore(%arg15 : memref<!tpu.dma_semaphore, #tpu.memory_space<semaphore_mem>>) src(%arg10 : memref<256x128xf32, #tpu.memory_space<vmem>>) dst(%dma_wait3A_191 : memref<256x128xf32, #tpu.memory_space<hbm>>)
    %dma_start3A_192 = arith.constant 768 : i32
    %dma_start3A_193 = tpu.memref_slice %arg8[%dma_start3A_192] : memref<1536xi32, #tpu.memory_space<vmem>> -> memref<256xi32, #tpu.memory_space<vmem>>
    %dma_start3A_194 = arith.constant 0 : i32
    %dma_start3A_195 = arith.constant 0 : i32
    %dma_start3A_196 = tpu.memref_slice %arg2[%dma_start3A_194, %dma_start3A_195] : memref<16384x128xf32, #tpu.memory_space<hbm>> -> memref<16384x128xf32, #tpu.memory_space<hbm>>
    tpu.enqueue_indirect_dma source(%dma_start3A_196 : memref<16384x128xf32, #tpu.memory_space<hbm>>) target(%arg10 : memref<256x128xf32, #tpu.memory_space<vmem>>) offsets(%dma_start3A_193 : memref<256xi32, #tpu.memory_space<vmem>>) semaphore(%arg14 : memref<!tpu.dma_semaphore, #tpu.memory_space<semaphore_mem>>)
    %dma_wait3A_197 = arith.constant 768 : i32
    %dma_wait3A_198 = tpu.memref_slice %arg8[%dma_wait3A_197] : memref<1536xi32, #tpu.memory_space<vmem>> -> memref<256xi32, #tpu.memory_space<vmem>>
    %dma_wait3A_199 = arith.constant 0 : i32
    %dma_wait3A_200 = arith.constant 0 : i32
    %dma_wait3A_201 = tpu.memref_slice %arg2[%dma_wait3A_199, %dma_wait3A_200] : memref<16384x128xf32, #tpu.memory_space<hbm>> -> memref<16384x128xf32, #tpu.memory_space<hbm>>
    tpu.wait_indirect_dma semaphore(%arg14 : memref<!tpu.dma_semaphore, #tpu.memory_space<semaphore_mem>>) src(%dma_wait3A_201 : memref<16384x128xf32, #tpu.memory_space<hbm>>) dst(%arg10 : memref<256x128xf32, #tpu.memory_space<vmem>>)
    %jit3A_202 = arith.constant 4096 : i32
    %div3A_203 = arith.divsi %mul3A_2, %jit3A_202 : i32
    %sign3A_204 = arith.constant 0 : i32
    %sign3A_205 = arith.cmpi sgt, %mul3A_2, %sign3A_204 : i32
    %sign3A_206 = arith.extui %sign3A_205 : i1 to i32
    %sign3A_207 = arith.constant 0 : i32
    %sign3A_208 = arith.cmpi slt, %mul3A_2, %sign3A_207 : i32
    %sign3A_209 = arith.extui %sign3A_208 : i1 to i32
    %sign3A_210 = arith.subi %sign3A_206, %sign3A_209 : i32
    %sign3A_211 = arith.constant 0 : i32
    %sign3A_212 = arith.cmpi sgt, %jit3A_202, %sign3A_211 : i32
    %sign3A_213 = arith.extui %sign3A_212 : i1 to i32
    %sign3A_214 = arith.constant 0 : i32
    %sign3A_215 = arith.cmpi slt, %jit3A_202, %sign3A_214 : i32
    %sign3A_216 = arith.extui %sign3A_215 : i1 to i32
    %sign3A_217 = arith.subi %sign3A_213, %sign3A_216 : i32
    %ne3A_218 = arith.cmpi ne, %sign3A_210, %sign3A_217 : i32
    %rem3A_219 = arith.remsi %mul3A_2, %jit3A_202 : i32
    %ne3A_220 = arith.constant 0 : i32
    %ne3A_221 = arith.cmpi ne, %rem3A_219, %ne3A_220 : i32
    %and3A_222 = arith.andi %ne3A_218, %ne3A_221 : i1
    %sub3A_223 = arith.constant 1 : i32
    %sub3A_224 = arith.subi %div3A_203, %sub3A_223 : i32
    %select_n3A_225 = arith.select %and3A_222, %sub3A_224, %div3A_203 : i32
    %jit3A_226 = arith.constant 4096 : i32
    %eq3A_227 = arith.constant 0 : i32
    %eq3A_228 = arith.cmpi eq, %jit3A_226, %eq3A_227 : i32
    %jit3A_229 = arith.constant 1 : i32
    %select_n3A_230 = arith.select %eq3A_228, %jit3A_229, %jit3A_226 : i32
    %rem3A_231 = arith.remsi %mul3A_2, %select_n3A_230 : i32
    %ne3A_232 = arith.constant 0 : i32
    %ne3A_233 = arith.cmpi ne, %rem3A_231, %ne3A_232 : i32
    %lt3A_234 = arith.constant 0 : i32
    %lt3A_235 = arith.cmpi slt, %rem3A_231, %lt3A_234 : i32
    %lt3A_236 = arith.constant 0 : i32
    %lt3A_237 = arith.cmpi slt, %select_n3A_230, %lt3A_236 : i32
    %ne3A_238 = arith.xori %lt3A_235, %lt3A_237 : i1
    %and3A_239 = arith.andi %ne3A_238, %ne3A_233 : i1
    %add3A_240 = arith.addi %rem3A_231, %select_n3A_230 : i32
    %select_n3A_241 = arith.select %and3A_239, %add3A_240, %rem3A_231 : i32
    %add3A_242 = arith.constant 256 : i32
    %add3A_243 = arith.addi %select_n3A_241, %add3A_242 : i32
    %mul3A_244 = arith.constant 12288 : i32
    %mul3A_245 = arith.muli %select_n3A_225, %mul3A_244 : i32
    %add3A_246 = arith.constant 4096 : i32
    %add3A_247 = arith.addi %mul3A_245, %add3A_246 : i32
    %add3A_248 = arith.addi %add3A_247, %add3A_243 : i32
    %dma_start3A_249 = arith.constant 0 : i32
    %dma_start3A_250 = tpu.memref_slice %arg6[%add3A_248, %dma_start3A_249] : memref<49152x128xf32, #tpu.memory_space<hbm>> -> memref<256x128xf32, #tpu.memory_space<hbm>>
    %dma_start3A_251 = arith.constant 0 : i32
    %dma_start3A_252 = tpu.memref_slice %arg6[%add3A_248, %dma_start3A_251] : memref<49152x128xf32, #tpu.memory_space<hbm>> -> memref<256x128xf32, #tpu.memory_space<hbm>>
    tpu.enqueue_dma source(%arg10 : memref<256x128xf32, #tpu.memory_space<vmem>>) target(%dma_start3A_252 : memref<256x128xf32, #tpu.memory_space<hbm>>) target_semaphore(%arg15 : memref<!tpu.dma_semaphore, #tpu.memory_space<semaphore_mem>>)
    %dma_wait3A_253 = arith.constant 0 : i32
    %dma_wait3A_254 = tpu.memref_slice %arg6[%add3A_183, %dma_wait3A_253] : memref<49152x128xf32, #tpu.memory_space<hbm>> -> memref<256x128xf32, #tpu.memory_space<hbm>>
    %dma_wait3A_255 = arith.constant 0 : i32
    %dma_wait3A_256 = tpu.memref_slice %arg6[%add3A_183, %dma_wait3A_255] : memref<49152x128xf32, #tpu.memory_space<hbm>> -> memref<256x128xf32, #tpu.memory_space<hbm>>
    tpu.wait_dma2 semaphore(%arg15 : memref<!tpu.dma_semaphore, #tpu.memory_space<semaphore_mem>>) src(%arg9 : memref<256x128xf32, #tpu.memory_space<vmem>>) dst(%dma_wait3A_256 : memref<256x128xf32, #tpu.memory_space<hbm>>)
    %dma_start3A_257 = arith.constant 1024 : i32
    %dma_start3A_258 = tpu.memref_slice %arg8[%dma_start3A_257] : memref<1536xi32, #tpu.memory_space<vmem>> -> memref<256xi32, #tpu.memory_space<vmem>>
    %dma_start3A_259 = arith.constant 0 : i32
    %dma_start3A_260 = arith.constant 0 : i32
    %dma_start3A_261 = tpu.memref_slice %arg2[%dma_start3A_259, %dma_start3A_260] : memref<16384x128xf32, #tpu.memory_space<hbm>> -> memref<16384x128xf32, #tpu.memory_space<hbm>>
    tpu.enqueue_indirect_dma source(%dma_start3A_261 : memref<16384x128xf32, #tpu.memory_space<hbm>>) target(%arg9 : memref<256x128xf32, #tpu.memory_space<vmem>>) offsets(%dma_start3A_258 : memref<256xi32, #tpu.memory_space<vmem>>) semaphore(%arg14 : memref<!tpu.dma_semaphore, #tpu.memory_space<semaphore_mem>>)
    %dma_wait3A_262 = arith.constant 1024 : i32
    %dma_wait3A_263 = tpu.memref_slice %arg8[%dma_wait3A_262] : memref<1536xi32, #tpu.memory_space<vmem>> -> memref<256xi32, #tpu.memory_space<vmem>>
    %dma_wait3A_264 = arith.constant 0 : i32
    %dma_wait3A_265 = arith.constant 0 : i32
    %dma_wait3A_266 = tpu.memref_slice %arg2[%dma_wait3A_264, %dma_wait3A_265] : memref<16384x128xf32, #tpu.memory_space<hbm>> -> memref<16384x128xf32, #tpu.memory_space<hbm>>
    tpu.wait_indirect_dma semaphore(%arg14 : memref<!tpu.dma_semaphore, #tpu.memory_space<semaphore_mem>>) src(%dma_wait3A_266 : memref<16384x128xf32, #tpu.memory_space<hbm>>) dst(%arg9 : memref<256x128xf32, #tpu.memory_space<vmem>>)
    %jit3A_267 = arith.constant 4096 : i32
    %div3A_268 = arith.divsi %mul3A_2, %jit3A_267 : i32
    %sign3A_269 = arith.constant 0 : i32
    %sign3A_270 = arith.cmpi sgt, %mul3A_2, %sign3A_269 : i32
    %sign3A_271 = arith.extui %sign3A_270 : i1 to i32
    %sign3A_272 = arith.constant 0 : i32
    %sign3A_273 = arith.cmpi slt, %mul3A_2, %sign3A_272 : i32
    %sign3A_274 = arith.extui %sign3A_273 : i1 to i32
    %sign3A_275 = arith.subi %sign3A_271, %sign3A_274 : i32
    %sign3A_276 = arith.constant 0 : i32
    %sign3A_277 = arith.cmpi sgt, %jit3A_267, %sign3A_276 : i32
    %sign3A_278 = arith.extui %sign3A_277 : i1 to i32
    %sign3A_279 = arith.constant 0 : i32
    %sign3A_280 = arith.cmpi slt, %jit3A_267, %sign3A_279 : i32
    %sign3A_281 = arith.extui %sign3A_280 : i1 to i32
    %sign3A_282 = arith.subi %sign3A_278, %sign3A_281 : i32
    %ne3A_283 = arith.cmpi ne, %sign3A_275, %sign3A_282 : i32
    %rem3A_284 = arith.remsi %mul3A_2, %jit3A_267 : i32
    %ne3A_285 = arith.constant 0 : i32
    %ne3A_286 = arith.cmpi ne, %rem3A_284, %ne3A_285 : i32
    %and3A_287 = arith.andi %ne3A_283, %ne3A_286 : i1
    %sub3A_288 = arith.constant 1 : i32
    %sub3A_289 = arith.subi %div3A_268, %sub3A_288 : i32
    %select_n3A_290 = arith.select %and3A_287, %sub3A_289, %div3A_268 : i32
    %jit3A_291 = arith.constant 4096 : i32
    %eq3A_292 = arith.constant 0 : i32
    %eq3A_293 = arith.cmpi eq, %jit3A_291, %eq3A_292 : i32
    %jit3A_294 = arith.constant 1 : i32
    %select_n3A_295 = arith.select %eq3A_293, %jit3A_294, %jit3A_291 : i32
    %rem3A_296 = arith.remsi %mul3A_2, %select_n3A_295 : i32
    %ne3A_297 = arith.constant 0 : i32
    %ne3A_298 = arith.cmpi ne, %rem3A_296, %ne3A_297 : i32
    %lt3A_299 = arith.constant 0 : i32
    %lt3A_300 = arith.cmpi slt, %rem3A_296, %lt3A_299 : i32
    %lt3A_301 = arith.constant 0 : i32
    %lt3A_302 = arith.cmpi slt, %select_n3A_295, %lt3A_301 : i32
    %ne3A_303 = arith.xori %lt3A_300, %lt3A_302 : i1
    %and3A_304 = arith.andi %ne3A_303, %ne3A_298 : i1
    %add3A_305 = arith.addi %rem3A_296, %select_n3A_295 : i32
    %select_n3A_306 = arith.select %and3A_304, %add3A_305, %rem3A_296 : i32
    %add3A_307 = arith.constant 0 : i32
    %add3A_308 = arith.addi %select_n3A_306, %add3A_307 : i32
    %mul3A_309 = arith.constant 12288 : i32
    %mul3A_310 = arith.muli %select_n3A_290, %mul3A_309 : i32
    %add3A_311 = arith.constant 8192 : i32
    %add3A_312 = arith.addi %mul3A_310, %add3A_311 : i32
    %add3A_313 = arith.addi %add3A_312, %add3A_308 : i32
    %dma_start3A_314 = arith.constant 0 : i32
    %dma_start3A_315 = tpu.memref_slice %arg6[%add3A_313, %dma_start3A_314] : memref<49152x128xf32, #tpu.memory_space<hbm>> -> memref<256x128xf32, #tpu.memory_space<hbm>>
    %dma_start3A_316 = arith.constant 0 : i32
    %dma_start3A_317 = tpu.memref_slice %arg6[%add3A_313, %dma_start3A_316] : memref<49152x128xf32, #tpu.memory_space<hbm>> -> memref<256x128xf32, #tpu.memory_space<hbm>>
    tpu.enqueue_dma source(%arg9 : memref<256x128xf32, #tpu.memory_space<vmem>>) target(%dma_start3A_317 : memref<256x128xf32, #tpu.memory_space<hbm>>) target_semaphore(%arg15 : memref<!tpu.dma_semaphore, #tpu.memory_space<semaphore_mem>>)
    %dma_wait3A_318 = arith.constant 0 : i32
    %dma_wait3A_319 = tpu.memref_slice %arg6[%add3A_248, %dma_wait3A_318] : memref<49152x128xf32, #tpu.memory_space<hbm>> -> memref<256x128xf32, #tpu.memory_space<hbm>>
    %dma_wait3A_320 = arith.constant 0 : i32
    %dma_wait3A_321 = tpu.memref_slice %arg6[%add3A_248, %dma_wait3A_320] : memref<49152x128xf32, #tpu.memory_space<hbm>> -> memref<256x128xf32, #tpu.memory_space<hbm>>
    tpu.wait_dma2 semaphore(%arg15 : memref<!tpu.dma_semaphore, #tpu.memory_space<semaphore_mem>>) src(%arg10 : memref<256x128xf32, #tpu.memory_space<vmem>>) dst(%dma_wait3A_321 : memref<256x128xf32, #tpu.memory_space<hbm>>)
    %dma_start3A_322 = arith.constant 1280 : i32
    %dma_start3A_323 = tpu.memref_slice %arg8[%dma_start3A_322] : memref<1536xi32, #tpu.memory_space<vmem>> -> memref<256xi32, #tpu.memory_space<vmem>>
    %dma_start3A_324 = arith.constant 0 : i32
    %dma_start3A_325 = arith.constant 0 : i32
    %dma_start3A_326 = tpu.memref_slice %arg2[%dma_start3A_324, %dma_start3A_325] : memref<16384x128xf32, #tpu.memory_space<hbm>> -> memref<16384x128xf32, #tpu.memory_space<hbm>>
    tpu.enqueue_indirect_dma source(%dma_start3A_326 : memref<16384x128xf32, #tpu.memory_space<hbm>>) target(%arg10 : memref<256x128xf32, #tpu.memory_space<vmem>>) offsets(%dma_start3A_323 : memref<256xi32, #tpu.memory_space<vmem>>) semaphore(%arg14 : memref<!tpu.dma_semaphore, #tpu.memory_space<semaphore_mem>>)
    %dma_wait3A_327 = arith.constant 1280 : i32
    %dma_wait3A_328 = tpu.memref_slice %arg8[%dma_wait3A_327] : memref<1536xi32, #tpu.memory_space<vmem>> -> memref<256xi32, #tpu.memory_space<vmem>>
    %dma_wait3A_329 = arith.constant 0 : i32
    %dma_wait3A_330 = arith.constant 0 : i32
    %dma_wait3A_331 = tpu.memref_slice %arg2[%dma_wait3A_329, %dma_wait3A_330] : memref<16384x128xf32, #tpu.memory_space<hbm>> -> memref<16384x128xf32, #tpu.memory_space<hbm>>
    tpu.wait_indirect_dma semaphore(%arg14 : memref<!tpu.dma_semaphore, #tpu.memory_space<semaphore_mem>>) src(%dma_wait3A_331 : memref<16384x128xf32, #tpu.memory_space<hbm>>) dst(%arg10 : memref<256x128xf32, #tpu.memory_space<vmem>>)
    %jit3A_332 = arith.constant 4096 : i32
    %div3A_333 = arith.divsi %mul3A_2, %jit3A_332 : i32
    %sign3A_334 = arith.constant 0 : i32
    %sign3A_335 = arith.cmpi sgt, %mul3A_2, %sign3A_334 : i32
    %sign3A_336 = arith.extui %sign3A_335 : i1 to i32
    %sign3A_337 = arith.constant 0 : i32
    %sign3A_338 = arith.cmpi slt, %mul3A_2, %sign3A_337 : i32
    %sign3A_339 = arith.extui %sign3A_338 : i1 to i32
    %sign3A_340 = arith.subi %sign3A_336, %sign3A_339 : i32
    %sign3A_341 = arith.constant 0 : i32
    %sign3A_342 = arith.cmpi sgt, %jit3A_332, %sign3A_341 : i32
    %sign3A_343 = arith.extui %sign3A_342 : i1 to i32
    %sign3A_344 = arith.constant 0 : i32
    %sign3A_345 = arith.cmpi slt, %jit3A_332, %sign3A_344 : i32
    %sign3A_346 = arith.extui %sign3A_345 : i1 to i32
    %sign3A_347 = arith.subi %sign3A_343, %sign3A_346 : i32
    %ne3A_348 = arith.cmpi ne, %sign3A_340, %sign3A_347 : i32
    %rem3A_349 = arith.remsi %mul3A_2, %jit3A_332 : i32
    %ne3A_350 = arith.constant 0 : i32
    %ne3A_351 = arith.cmpi ne, %rem3A_349, %ne3A_350 : i32
    %and3A_352 = arith.andi %ne3A_348, %ne3A_351 : i1
    %sub3A_353 = arith.constant 1 : i32
    %sub3A_354 = arith.subi %div3A_333, %sub3A_353 : i32
    %select_n3A_355 = arith.select %and3A_352, %sub3A_354, %div3A_333 : i32
    %jit3A_356 = arith.constant 4096 : i32
    %eq3A_357 = arith.constant 0 : i32
    %eq3A_358 = arith.cmpi eq, %jit3A_356, %eq3A_357 : i32
    %jit3A_359 = arith.constant 1 : i32
    %select_n3A_360 = arith.select %eq3A_358, %jit3A_359, %jit3A_356 : i32
    %rem3A_361 = arith.remsi %mul3A_2, %select_n3A_360 : i32
    %ne3A_362 = arith.constant 0 : i32
    %ne3A_363 = arith.cmpi ne, %rem3A_361, %ne3A_362 : i32
    %lt3A_364 = arith.constant 0 : i32
    %lt3A_365 = arith.cmpi slt, %rem3A_361, %lt3A_364 : i32
    %lt3A_366 = arith.constant 0 : i32
    %lt3A_367 = arith.cmpi slt, %select_n3A_360, %lt3A_366 : i32
    %ne3A_368 = arith.xori %lt3A_365, %lt3A_367 : i1
    %and3A_369 = arith.andi %ne3A_368, %ne3A_363 : i1
    %add3A_370 = arith.addi %rem3A_361, %select_n3A_360 : i32
    %select_n3A_371 = arith.select %and3A_369, %add3A_370, %rem3A_361 : i32
    %add3A_372 = arith.constant 256 : i32
    %add3A_373 = arith.addi %select_n3A_371, %add3A_372 : i32
    %mul3A_374 = arith.constant 12288 : i32
    %mul3A_375 = arith.muli %select_n3A_355, %mul3A_374 : i32
    %add3A_376 = arith.constant 8192 : i32
    %add3A_377 = arith.addi %mul3A_375, %add3A_376 : i32
    %add3A_378 = arith.addi %add3A_377, %add3A_373 : i32
    %dma_start3A_379 = arith.constant 0 : i32
    %dma_start3A_380 = tpu.memref_slice %arg6[%add3A_378, %dma_start3A_379] : memref<49152x128xf32, #tpu.memory_space<hbm>> -> memref<256x128xf32, #tpu.memory_space<hbm>>
    %dma_start3A_381 = arith.constant 0 : i32
    %dma_start3A_382 = tpu.memref_slice %arg6[%add3A_378, %dma_start3A_381] : memref<49152x128xf32, #tpu.memory_space<hbm>> -> memref<256x128xf32, #tpu.memory_space<hbm>>
    tpu.enqueue_dma source(%arg10 : memref<256x128xf32, #tpu.memory_space<vmem>>) target(%dma_start3A_382 : memref<256x128xf32, #tpu.memory_space<hbm>>) target_semaphore(%arg15 : memref<!tpu.dma_semaphore, #tpu.memory_space<semaphore_mem>>)
    %dma_wait3A_383 = arith.constant 0 : i32
    %dma_wait3A_384 = tpu.memref_slice %arg6[%add3A_313, %dma_wait3A_383] : memref<49152x128xf32, #tpu.memory_space<hbm>> -> memref<256x128xf32, #tpu.memory_space<hbm>>
    %dma_wait3A_385 = arith.constant 0 : i32
    %dma_wait3A_386 = tpu.memref_slice %arg6[%add3A_313, %dma_wait3A_385] : memref<49152x128xf32, #tpu.memory_space<hbm>> -> memref<256x128xf32, #tpu.memory_space<hbm>>
    tpu.wait_dma2 semaphore(%arg15 : memref<!tpu.dma_semaphore, #tpu.memory_space<semaphore_mem>>) src(%arg9 : memref<256x128xf32, #tpu.memory_space<vmem>>) dst(%dma_wait3A_386 : memref<256x128xf32, #tpu.memory_space<hbm>>)
    %dma_wait3A_387 = arith.constant 0 : i32
    %dma_wait3A_388 = tpu.memref_slice %arg6[%add3A_378, %dma_wait3A_387] : memref<49152x128xf32, #tpu.memory_space<hbm>> -> memref<256x128xf32, #tpu.memory_space<hbm>>
    %dma_wait3A_389 = arith.constant 0 : i32
    %dma_wait3A_390 = tpu.memref_slice %arg6[%add3A_378, %dma_wait3A_389] : memref<49152x128xf32, #tpu.memory_space<hbm>> -> memref<256x128xf32, #tpu.memory_space<hbm>>
    tpu.wait_dma2 semaphore(%arg15 : memref<!tpu.dma_semaphore, #tpu.memory_space<semaphore_mem>>) src(%arg10 : memref<256x128xf32, #tpu.memory_space<vmem>>) dst(%dma_wait3A_390 : memref<256x128xf32, #tpu.memory_space<hbm>>)
    return
  }
}

module attributes {stable_mosaic.version = 14 : i64} {
  func.func @_tc_reduce_body(%arg0: i32, %arg1: memref<12288x128xf32, #tpu.memory_space<vmem>>, %arg2: memref<1x1x4096xf32, #tpu.memory_space<vmem>>, %arg3: memref<1x1xf32, #tpu.memory_space<smem>>, %arg4: memref<2xf32, #tpu.memory_space<smem>>) attributes {dimension_semantics = [#tpu.dimension_semantics<arbitrary>], iteration_bounds = array<i64: 4>, scalar_prefetch = 0 : i64, scratch_operands = 1 : i64, tpu.core_type = #tpu.core_type<tc>, window_params = [{transform_indices = @transform_0, window_bounds = array<i64: 12288, 128>}, {transform_indices = @transform_1, window_bounds = array<i64: 1, 1, 4096>}, {transform_indices = @transform_2, window_bounds = array<i64: 1, 1>}]} {
    %eq3A = arith.constant 0 : i32
    %eq3A_0 = arith.cmpi eq, %arg0, %eq3A : i32
    %convert_element_type3A = arith.extui %eq3A_0 : i1 to i32
    %cond3A = arith.constant 0 : i32
    %cond3A_1 = arith.cmpi ne, %convert_element_type3A, %cond3A : i32
    scf.if %cond3A_1 {
      %swap3A_66 = arith.constant 0.000000e+00 : f32
      %swap3A_67 = arith.constant 0 : index
      %swap3A_68 = memref.load %arg4[%swap3A_67] : memref<2xf32, #tpu.memory_space<smem>>
      memref.store %swap3A_66, %arg4[%swap3A_67] : memref<2xf32, #tpu.memory_space<smem>>
      %swap3A_69 = arith.constant 0.000000e+00 : f32
      %swap3A_70 = arith.constant 1 : index
      %swap3A_71 = memref.load %arg4[%swap3A_70] : memref<2xf32, #tpu.memory_space<smem>>
      memref.store %swap3A_69, %arg4[%swap3A_70] : memref<2xf32, #tpu.memory_space<smem>>
    } else {
    }
    %get3A = arith.constant 0 : index
    %get3A_2 = arith.constant 0 : index
    %get3A_3 = vector.load %arg1[%get3A, %get3A_2] : memref<12288x128xf32, #tpu.memory_space<vmem>>, vector<12288x128xf32>
    %slice3A = vector.extract_strided_slice %get3A_3 {offsets = [0, 0], sizes = [4096, 128], strides = [1, 1]} : vector<12288x128xf32> to vector<4096x128xf32>
    %slice3A_4 = vector.extract_strided_slice %get3A_3 {offsets = [4096, 0], sizes = [4096, 128], strides = [1, 1]} : vector<12288x128xf32> to vector<4096x128xf32>
    %slice3A_5 = vector.extract_strided_slice %get3A_3 {offsets = [8192, 0], sizes = [4096, 128], strides = [1, 1]} : vector<12288x128xf32> to vector<4096x128xf32>
    %get3A_6 = arith.constant 0 : index
    %get3A_7 = arith.constant 0 : index
    %get3A_8 = arith.constant 0 : index
    %get3A_9 = vector.load %arg2[%get3A_6, %get3A_7, %get3A_8] : memref<1x1x4096xf32, #tpu.memory_space<vmem>>, vector<1x1x4096xf32>
    %get3A_10 = vector.shape_cast %get3A_9 : vector<1x1x4096xf32> to vector<4096xf32>
    %sub3A = arith.subf %slice3A, %slice3A_4 : vector<4096x128xf32>
    %sub3A_11 = arith.subf %slice3A, %slice3A_5 : vector<4096x128xf32>
    %mul3A = arith.mulf %sub3A, %sub3A : vector<4096x128xf32>
    %mul3A_12 = arith.mulf %sub3A_11, %sub3A_11 : vector<4096x128xf32>
    %concatenate3A = tpu.concatenate %mul3A, %mul3A_12 in 0 : vector<4096x128xf32>, vector<4096x128xf32> -> vector<8192x128xf32>
    %transpose3A = tpu.transpose %concatenate3A, [1, 0] : vector<8192x128xf32> -> vector<128x8192xf32>
    %reduce_sum3A = arith.constant dense<0.000000e+00> : vector<8192xf32>
    %reduce_sum3A_13 = vector.multi_reduction <add>, %transpose3A, %reduce_sum3A [0] : vector<128x8192xf32> to vector<8192xf32>
    %add3A = arith.constant 9.99999993E-9 : f32
    %add3A_14 = vector.broadcast %add3A : f32 to vector<8192xf32>
    %add3A_15 = arith.addf %reduce_sum3A_13, %add3A_14 : vector<8192xf32>
    %sqrt3A = math.sqrt %add3A_15 : vector<8192xf32>
    %slice3A_16 = vector.extract_strided_slice %sqrt3A {offsets = [0], sizes = [4096], strides = [1]} : vector<8192xf32> to vector<4096xf32>
    %sub3A_17 = arith.subf %slice3A_16, %get3A_10 : vector<4096xf32>
    %add3A_18 = arith.constant 2.000000e-01 : f32
    %add3A_19 = vector.broadcast %add3A_18 : f32 to vector<4096xf32>
    %add3A_20 = arith.addf %sub3A_17, %add3A_19 : vector<4096xf32>
    %max3A = arith.constant 0.000000e+00 : f32
    %max3A_21 = vector.broadcast %max3A : f32 to vector<4096xf32>
    %max3A_22 = arith.maximumf %add3A_20, %max3A_21 : vector<4096xf32>
    %slice3A_23 = vector.extract_strided_slice %sqrt3A {offsets = [4096], sizes = [4096], strides = [1]} : vector<8192xf32> to vector<4096xf32>
    %sub3A_24 = arith.subf %get3A_10, %slice3A_23 : vector<4096xf32>
    %add3A_25 = arith.constant 2.000000e-01 : f32
    %add3A_26 = vector.broadcast %add3A_25 : f32 to vector<4096xf32>
    %add3A_27 = arith.addf %sub3A_24, %add3A_26 : vector<4096xf32>
    %max3A_28 = arith.constant 0.000000e+00 : f32
    %max3A_29 = vector.broadcast %max3A_28 : f32 to vector<4096xf32>
    %max3A_30 = arith.maximumf %add3A_27, %max3A_29 : vector<4096xf32>
    %get3A_31 = arith.constant 0 : index
    %get3A_32 = memref.load %arg4[%get3A_31] : memref<2xf32, #tpu.memory_space<smem>>
    %add3A_33 = arith.addf %max3A_22, %max3A_30 : vector<4096xf32>
    %reduce_sum3A_34 = vector.shape_cast %add3A_33 : vector<4096xf32> to vector<1x4096xf32>
    %reduce_sum3A_35 = arith.constant dense<0.000000e+00> : vector<1xf32>
    %reduce_sum3A_36 = vector.multi_reduction <add>, %reduce_sum3A_34, %reduce_sum3A_35 [1] : vector<1x4096xf32> to vector<1xf32>
    %reduce_sum3A_37 = vector.shape_cast %reduce_sum3A_36 : vector<1xf32> to vector<1x1xf32>
    %reduce_sum3A_38 = vector.extract %reduce_sum3A_37[0, 0] : f32 from vector<1x1xf32>
    %add3A_39 = arith.addf %get3A_32, %reduce_sum3A_38 : f32
    %swap3A = arith.constant 0 : index
    %swap3A_40 = memref.load %arg4[%swap3A] : memref<2xf32, #tpu.memory_space<smem>>
    memref.store %add3A_39, %arg4[%swap3A] : memref<2xf32, #tpu.memory_space<smem>>
    %get3A_41 = arith.constant 1 : index
    %get3A_42 = memref.load %arg4[%get3A_41] : memref<2xf32, #tpu.memory_space<smem>>
    %gt3A = arith.constant 0.000000e+00 : f32
    %gt3A_43 = vector.broadcast %gt3A : f32 to vector<4096xf32>
    %gt3A_44 = arith.cmpf ogt, %max3A_22, %gt3A_43 : vector<4096xf32>
    %convert_element_type3A_45 = arith.extui %gt3A_44 : vector<4096xi1> to vector<4096xi32>
    %convert_element_type3A_46 = arith.sitofp %convert_element_type3A_45 : vector<4096xi32> to vector<4096xf32>
    %gt3A_47 = arith.constant 0.000000e+00 : f32
    %gt3A_48 = vector.broadcast %gt3A_47 : f32 to vector<4096xf32>
    %gt3A_49 = arith.cmpf ogt, %max3A_30, %gt3A_48 : vector<4096xf32>
    %convert_element_type3A_50 = arith.extui %gt3A_49 : vector<4096xi1> to vector<4096xi32>
    %convert_element_type3A_51 = arith.sitofp %convert_element_type3A_50 : vector<4096xi32> to vector<4096xf32>
    %add3A_52 = arith.addf %convert_element_type3A_46, %convert_element_type3A_51 : vector<4096xf32>
    %reduce_sum3A_53 = vector.shape_cast %add3A_52 : vector<4096xf32> to vector<1x4096xf32>
    %reduce_sum3A_54 = arith.constant dense<0.000000e+00> : vector<1xf32>
    %reduce_sum3A_55 = vector.multi_reduction <add>, %reduce_sum3A_53, %reduce_sum3A_54 [1] : vector<1x4096xf32> to vector<1xf32>
    %reduce_sum3A_56 = vector.shape_cast %reduce_sum3A_55 : vector<1xf32> to vector<1x1xf32>
    %reduce_sum3A_57 = vector.extract %reduce_sum3A_56[0, 0] : f32 from vector<1x1xf32>
    %add3A_58 = arith.addf %get3A_42, %reduce_sum3A_57 : f32
    %swap3A_59 = arith.constant 1 : index
    %swap3A_60 = memref.load %arg4[%swap3A_59] : memref<2xf32, #tpu.memory_space<smem>>
    memref.store %add3A_58, %arg4[%swap3A_59] : memref<2xf32, #tpu.memory_space<smem>>
    %eq3A_61 = arith.constant 3 : i32
    %eq3A_62 = arith.cmpi eq, %arg0, %eq3A_61 : i32
    %convert_element_type3A_63 = arith.extui %eq3A_62 : i1 to i32
    %cond3A_64 = arith.constant 0 : i32
    %cond3A_65 = arith.cmpi ne, %convert_element_type3A_63, %cond3A_64 : i32
    scf.if %cond3A_65 {
      %get3A_66 = arith.constant 0 : index
      %get3A_67 = memref.load %arg4[%get3A_66] : memref<2xf32, #tpu.memory_space<smem>>
      %get3A_68 = arith.constant 1 : index
      %get3A_69 = memref.load %arg4[%get3A_68] : memref<2xf32, #tpu.memory_space<smem>>
      %eq3A_70 = arith.constant 0.000000e+00 : f32
      %eq3A_71 = arith.cmpf oeq, %get3A_69, %eq3A_70 : f32
      %max3A_72 = arith.constant 1.000000e+00 : f32
      %max3A_73 = arith.maximumf %get3A_69, %max3A_72 : f32
      %div3A = arith.divf %get3A_67, %max3A_73 : f32
      %select_n3A = arith.select %eq3A_71, %get3A_67, %div3A : f32
      %swap3A_74 = arith.constant 0 : index
      %swap3A_75 = arith.constant 0 : index
      %swap3A_76 = memref.load %arg3[%swap3A_74, %swap3A_75] : memref<1x1xf32, #tpu.memory_space<smem>>
      memref.store %select_n3A, %arg3[%swap3A_74, %swap3A_75] : memref<1x1xf32, #tpu.memory_space<smem>>
    } else {
    }
    return
  }
  func.func @transform_0(%arg0: i32) -> (i32, i32) {
    %c0_i32 = arith.constant 0 : i32
    %c0_i32_0 = arith.constant 0 : i32
    return %arg0, %c0_i32 : i32, i32
  }
  func.func @transform_1(%arg0: i32) -> (i32, i32, i32) {
    %c0_i32 = arith.constant 0 : i32
    %c0_i32_0 = arith.constant 0 : i32
    %c0_i32_1 = arith.constant 0 : i32
    return %arg0, %c0_i32, %c0_i32_0 : i32, i32, i32
  }
  func.func @transform_2(%arg0: i32) -> (i32, i32) {
    %c0_i32 = arith.constant 0 : i32
    %c0_i32_0 = arith.constant 0 : i32
    %c0_i32_1 = arith.constant 0 : i32
    return %c0_i32, %c0_i32_0 : i32, i32
  }
}

</mosaic_0001>

<sc_bundles>
// kernel: kernel.4.cloned.1.call-start
scs
__scs_entry_jumppad:
0x0: {  	(pc) =	sbr.rel $0x88, $3  }
0x1: {  	(tag) =	ssettag $0x0;
	lr =	simm.s32 $0x1  }
0x2: {  	[smem:$0x3F9D] =	sst lr;
	_ =	strace $0xD0000000  }
0x3: {  	_ = 	snop  }
0x4: {  	_ = 	snop  }
0x5: {  	_ = 	snop  }
0x6: {  	_ = 	snop  }
0x7: {  	_ = 	snop  }
__scs_overlays_trampoline_lowered:
0x8: {  	[smem:$0x3FAC] =	sst s0  }
0x9: {  	[smem:$0x3FAD] =	sst s1  }
0xa: {  	[smem:$0x3FAE] =	sst s2  }
0xb: {  	[smem:$0x3FAF] =	sst s3  }
0xc: {  	[smem:$0x3FB0] =	sst s4  }
0xd: {  	[smem:$0x3FB1] =	sst s5  }
0xe: {  	[smem:$0x3FB2] =	sst s6  }
0xf: {  	[smem:$0x3FB3] =	sst s7  }
0x10: {  	[smem:$0x3FB4] =	sst s8  }
0x11: {  	[smem:$0x3FB5] =	sst s9;
	s0 =	simm.s32 @!p0 $0x0  }
0x12: {  	s1 =	sld [smem:$0x3F9B];
	s0 =	simm.s32 @p0 $0x1  }
0x13: {  	[smem:$0x3FB6] =	sst s0;
	s0 =	simm.s32 @!p1 $0x0  }
0x14: {  	s2 =	sld [smem:$0x3F9A];
	s0 =	simm.s32 @p1 $0x1  }
0x15: {  	[smem:$0x3FB7] =	sst s0;
	s0 =	simm.s32 @!p2 $0x0  }
0x16: {  	s3 =	sld [smem:$0x3FDB];
	s0 =	simm.s32 @p2 $0x1  }
0x17: {  	s4 =	simm.s32 $0x1BF5;
	[smem:$0x3FB9] =	sst s0  }
0x18: {  	s0 =	sld [smem:$0x3F9C];
	_ =	swait.ge [sflag:s4], $0x0  }
0x19: {  	s7 =	sld [smem:$0x3F9D]  }
0x1a: {  	s8 =	sadd.s32 $0xFFFFE003, lr  }
0x1b: {  	s9 =	sadd.s32 $0xFFFFFEF7, lr;
	s5 =	simm.s32 $0xFFFFFFFF;
	p2 =	slt.u32 s8, $0xFFFFF086  }
0x1c: {  	p1 =	slt.u32 s9, $0xF7A;
	s5 =	simm.s32 @!p2 $0x0  }
0x1d: {  	s5 =	simm.s32 @p1 $0x1;
	p0 =	seq.s32 s7, s2  }
0x1e: {  	s7 =	smul.u32 @!p0 $0xF7A, s2;
	p2 =	seq.s32 @!p0 s5, $0x0  }
0x1f: {  	s9 =	smul.u32 $0xF7A, s1;
	s8 =	simm.s32 @!p0 $0x1BF5;
	p2 =	por !p2, p0  }
0x20: {  	[sflag:s8] =	ssyncset.s32 @!p0 $0xFFFFF086;
	s6 =	sadd.s32 @!p0 s3, s7;
	s7 =	simm.s32 @!p0 $0x108  }
0x21: {  	s3 =	sadd.s32 s3, s9;
	s6 =	sadd.s32 @!p0 $0x88, s6;
	s7 =	simm.s32 @p2 $0x1082  }
0x22: {  	[simem:s7], [sflag:s8] =	dma.local @!p0 [hbm:s6], $0xF7A  }
0x23: {  	s9 =	sor.u32 $0xD0000000, s2;
	s6 =	simm.s32 $0x108;
	_ =	swait.ge @!p0 [sflag:s8], $0x0  }
0x24: {  	s3 =	sadd.s32 $0x88, s3;
	s6 =	simm.s32 @!p1 $0x1082;
	[sflag:s4] =	ssyncset.s32 $0xFFFFF086  }
0x25: {  	[simem:s6], [sflag:s4] =	dma.local [hbm:s3], $0xF7A  }
0x26: {  	[smem:$0x3F9D] =	sst s1;
	(tag) =	ssettag s2;
	_ =	strace s9  }
0x27: {  	s1 =	sld [smem:$0x3FAD]  }
0x28: {  	s2 =	sld [smem:$0x3FAE]  }
0x29: {  	s4 =	sld [smem:$0x3FB0]  }
0x2a: {  	p0 =	seq.s32 s5, $0x0;
	s5 =	sld [smem:$0x3FB1]  }
0x2b: {  	s6 =	sld [smem:$0x3FB2]  }
0x2c: {  	s7 =	sld [smem:$0x3FB3]  }
0x2d: {  	s3 =	simm.s32 $0x108;
	s8 =	sld [smem:$0x3FB4]  }
0x2e: {  	s3 =	simm.s32 @!p0 $0x1082;
	s9 =	sld [smem:$0x3FB5]  }
0x2f: {  	lr =	sadd.s32 s0, s3;
	s0 =	sld [smem:$0x3FAC]  }
0x30: {  	s3 =	sld [smem:$0x3FAF]  }
0x31: {  	[smem:$0x3FB8] =	sst s10  }
0x32: {  	s10 =	sld [smem:$0x3FB6];
	_ =	sdelay $0x3  }
0x33: {  	p0 =	seq.s32 s10, $0x1;
	s10 =	sld [smem:$0x3FB8];
	_ =	sdelay $0x3  }
0x34: {  	[smem:$0x3FB8] =	sst s10  }
0x35: {  	s10 =	sld [smem:$0x3FB7];
	_ =	sdelay $0x3  }
0x36: {  	p1 =	seq.s32 s10, $0x1;
	s10 =	sld [smem:$0x3FB8];
	_ =	sdelay $0x3  }
0x37: {  	[smem:$0x3FB8] =	sst s10  }
0x38: {  	s10 =	sld [smem:$0x3FB9]  }
0x39: {  	_ = 	snop;
	(pc) =	sbr.ind lr, $3  }
0x3a: {  	_ = 	snop  }
0x3b: {  	_ = 	snop  }
0x3c: {  	p2 =	seq.s32 s10, $0x1;
	s10 =	sld [smem:$0x3FB8]  }
0x3d: {  	_ =	shalt  }
0x3e: {  	_ =	shalt  }
0x3f: {  	_ =	shalt  }
0x40: {  	_ =	shalt  }
0x41: {  	_ =	shalt  }
0x42: {  	_ =	shalt  }
0x43: {  	_ =	shalt  }
0x44: {  	_ =	shalt  }
0x45: {  	_ =	shalt  }
0x46: {  	_ =	shalt  }
0x47: {  	_ =	shalt  }
0x48: {  	_ =	shalt  }
0x49: {  	_ =	shalt  }
0x4a: {  	_ =	shalt  }
0x4b: {  	_ =	shalt  }
0x4c: {  	_ =	shalt  }
0x4d: {  	_ =	shalt  }
0x4e: {  	_ =	shalt  }
0x4f: {  	_ =	shalt  }
0x50: {  	_ =	shalt  }
0x51: {  	_ =	shalt  }
0x52: {  	_ =	shalt  }
0x53: {  	_ =	shalt  }
0x54: {  	_ =	shalt  }
0x55: {  	_ =	shalt  }
0x56: {  	_ =	shalt  }
0x57: {  	_ =	shalt  }
0x58: {  	_ =	shalt  }
0x59: {  	_ =	shalt  }
0x5a: {  	_ =	shalt  }
0x5b: {  	_ =	shalt  }
0x5c: {  	_ =	shalt  }
0x5d: {  	_ =	shalt  }
0x5e: {  	_ =	shalt  }
0x5f: {  	_ =	shalt  }
0x60: {  	_ =	shalt  }
0x61: {  	_ =	shalt  }
0x62: {  	_ =	shalt  }
0x63: {  	_ =	shalt  }
0x64: {  	_ =	shalt  }
0x65: {  	_ =	shalt  }
0x66: {  	_ =	shalt  }
0x67: {  	_ =	shalt  }
0x68: {  	_ =	shalt  }
0x69: {  	_ =	shalt  }
0x6a: {  	_ =	shalt  }
0x6b: {  	_ =	shalt  }
0x6c: {  	_ =	shalt  }
0x6d: {  	_ =	shalt  }
0x6e: {  	_ =	shalt  }
0x6f: {  	_ =	shalt  }
0x70: {  	_ =	shalt  }
0x71: {  	_ =	shalt  }
0x72: {  	_ =	shalt  }
0x73: {  	_ =	shalt  }
0x74: {  	_ =	shalt  }
0x75: {  	_ =	shalt  }
0x76: {  	_ =	shalt  }
0x77: {  	_ =	shalt  }
0x78: {  	_ =	shalt  }
0x79: {  	_ =	shalt  }
0x7a: {  	_ =	shalt  }
0x7b: {  	_ =	shalt  }
0x7c: {  	_ =	shalt  }
0x7d: {  	_ =	shalt  }
0x7e: {  	_ =	shalt  }
0x7f: {  	_ =	shalt  }
0x80: {  	_ =	shalt  }
0x81: {  	_ =	shalt  }
0x82: {  	_ =	shalt  }
0x83: {  	_ =	shalt  }
0x84: {  	_ =	shalt  }
0x85: {  	_ =	shalt  }
0x86: {  	_ =	shalt  }
0x87: {  	_ =	shalt  }
.Lfunc_end0:
.L_simem_size_0:
called_computation_lowered:
.L_overlay_start_0:
0x88: {  	s2 =	sld [smem:$0x3FD9]  }
0x89: {  	s3 =	sld [smem:$0x3FFE];
	_ =	sdelay $0x1  }
0x8a: {  	s1 =	srdreg.scid  }
0x8b: {  	s0 =	sand.u32 $0x1, s1  }
0x8c: {  	s17 =	sshll.u32 s0, $0xA;
	s2 =	sadd.s32 s3, s2  }
0x8d: {  	s2 =	sadd.s32 s2, s17  }
0x8e: {  	[smem:$0x3FC4] =	sst s2  }
0x8f: {  	_ = 	snop  }
0x90: {  	s2 =	sld [smem:$0x3FC9]  }
0x91: {  	s18 =	sld [smem:$0x3FC8]  }
0x92: {  	s4 =	sld [smem:$0x3FC7];
	(tm) =	ssettm $0x1  }
0x93: {  	s5 =	sld [smem:$0x3FFB];
	_ =	sdelay $0x3  }
0x94: {  	_ =	strace s5  }
0x95: {  	s5 =	sld [smem:$0x3FFC];
	_ =	sdelay $0x3  }
0x96: {  	_ =	strace s5  }
0x97: {  	s5 =	sld [smem:$0x3FFD];
	_ =	sdelay $0x3  }
0x98: {  	_ =	strace s5  }
0x99: {  	_ =	strace $0x8FFFFFFF  }
0x9a: {  	s19 =	sld [smem:$0x3FDB];
	_ =	sdelay $0x1  }
0x9b: {  	s6 =	simm.s32 $_scs_section_size  }
0x9c: {  	s7 =	simm.s32 $_size__tile_overlayer_lowered;
	s8 =	simm.s32 $_tile_overlayer_lowered  }
0x9d: {  	s22 =	simm.s32 $0x1BFF;
	s21 =	sshll.u32 s8, $0x1;
	s5 =	sadd.s32 s6, s19  }
0x9e: {  	s9 =	simm.s32 $0x0;
	s20 =	sshll.u32 s7, $0x1;
	s7 =	sadd.s32 s21, s5  }
0x9f: {  	[timem:s9], [sflag:s22] =	dma.local [hbm:s7], s20  }
0xa0: {  	_ =	swait.ge [sflag:s22], s20  }
0xa1: {  	s6 =	ssub.s32 $0x0, s20;
	[sflag:s22] =	ssyncset.done $0x0  }
0xa2: {  	[sflag:s22] =	ssyncadd.s32 s6;
	_ =	sdelay $0x1  }
0xa3: {  	s23 =	simm.s32 $0x1B8B  }
0xa4: {  	_ =	swait.ge [sflag:s23], $0x1  }
0xa5: {  	[sflag:s23] =	ssyncset.done $0x0  }
0xa6: {  	s25 =	simm.s32 $0x1B8E;
	s24 =	sld [smem:$0x3FFE];
	[sflag:s23] =	ssyncadd.s32 $0xFFFFFFFF  }
0xa7: {  	s26 =	simm.s32 $execute0_lowered;
	[smem:$0x3FD2] =	sst s25  }
0xa8: {  	s7 =	sshll.u32 s26, $0x1;
	_ =	strace $0x80000046;
	[dreg:$0x1] =	wrdreg $0xFFFFFFFF  }
0xa9: {  	s28 =	simm.s32 $_size_execute0_lowered;
	s5 =	sadd.s32 s5, s7;
	[dreg:$0x0] =	wrdreg $0x0  }
0xaa: {  	s7 =	sshll.u32 s28, $0x1;
	[dreg:$0x2] =	wrdreg s5  }
0xab: {  	[dreg:$0x3] =	wrdreg s7  }
0xac: {  	[dreg:$0x4] =	wrdreg $0xC0  }
0xad: {  	_ =	task [dreg:s9], $0x5FFFF  }
0xae: {  	[dreg:$0x1] =	wrdreg $0xFFFFFFFF  }
0xaf: {  	[dreg:$0x0] =	wrdreg $0x60  }
0xb0: {  	[dreg:$0x2] =	wrdreg s2  }
0xb1: {  	[dreg:$0x3] =	wrdreg s24  }
0xb2: {  	[dreg:$0x4] =	wrdreg s4  }
0xb3: {  	[dreg:$0x5] =	wrdreg s18  }
0xb4: {  	[dreg:$0x6] =	wrdreg $0x9  }
0xb5: {  	_ =	task.clear_ibuf [dreg:s9], $0x7FFFF;
	_ =	strace $0x90000046  }
0xb6: {  	s29 =	simm.s32 $0x9;
	_ =	strace $0x80000048  }
0xb7: {  	_ =	swait.ge [sflag:s29], $0x1  }
0xb8: {  	[sflag:s29] =	ssyncadd.s32 $0xFFFFFFFF  }
0xb9: {  	_ =	strace $0x90000048  }
0xba: {  	_ =	sfence  }
0xbb: {  	s30 =	sld [smem:$0x0];
	_ =	sdelay $0x2  }
0xbc: {  	s31 =	sshll.u32 s1, $0xD;
	s1 =	sshrl.u32 s1, $0x2  }
0xbd: {  	s3 =	sand.u32 $0x4000, s31;
	s1 =	sadd.s32 s1, s30  }
0xbe: {  	s0 =	sor.u32 s3, s0;
	s1 =	sshll.u32 s1, $0x11  }
0xbf: {  	s0 =	sor.u32 s1, s0  }
0xc0: {  	s0 =	sadd.s32 $0x8F2B, s0  }
0xc1: {  	[sflag:s0] =	ssyncadd.remote.s32 $0x1  }
0xc2: {  	_ =	sfence.sel $0xFFFF  }
0xc3: {  	[dreg:$0x0] =	wrdreg $0xFFFFFFFF;
	(pc) =	sbr.abs _section_cstart, $3  }
0xc4: {  	[dreg:$0x1] =	wrdreg $0xFFFFFFFF  }
0xc5: {  	_ =	task.clear_ibuf [dreg:s9], $0x2FFFF;
	_ =	strace $0x9FFFFFFF  }
0xc6: {  	(tm) =	ssettm $0x7FFFFFFF  }
0xc7: {  	_ =	shalt  }
tec
execute0_lowered:
.L_overlay_start_1:
0x0: {  	(tag) =	ssettag $0x1  }
0x1: {  	s1 =	rddreg [dreg:$0x0]  }
0x2: {  	s0 =	rddreg [dreg:$0x1]  }
0x3: {  	s4 =	rddreg [dreg:$0x3];
	s2 =	srdreg.scid  }
0x4: {  	s5 =	simm.s32 $0x0;
	s8 =	stileid.u32;
	s17 =	simm.s32 $0x3  }
0x5: {  	s18 =	simm.s32 $0x200;
	s19 =	simm.s32 $0x400;
	s20 =	simm.s32 $0x100  }
0x6: {  	s21 =	simm.s32 $0x600;
	s22 =	simm.s32 $0x10600;
	s28 =	simm.s32 $0x2  }
0x7: {  	s29 =	simm.s32 $0x300;
	s30 =	simm.s32 $0x500;
	s31 =	simm.s32 $0x0  }
0x8: {  	s2 =	sand.u32 $0x1, s2;
	[smem:$0x7FF] =	sst s5;
	s3 =	sshll.u32 s8, $0xA  }
0x9: {  	s15 =	sadd.s32 $0x2A00, s0;
	s8 =	sshrl.u32 s8, $0x2;
	s6 =	sshll.u32 s2, $0x9  }
0xa: {  	s2 =	ssub.s32 $0x2, s2;
	s13 =	smul.u32 $0x3000, s8;
	s3 =	sor.u32 s6, s3  }
0xb: {  	_ =	strace $0x80000047;
	s7 =	sshrl.u32 s2, $0x1;
	s6 =	sshrl.u32 s3, $0x3  }
0xc: {  	s2 =	ssub.s32 s2, s7;
	s23 =	sand.u32 $0xE00, s3;
	s16 =	sadd.s32 $0x1000, s13  }
0xd: {  	s25 =	sadd.s32 $0x2000, s13;
	s0 =	sadd.s32 s6, s0;
	s3 =	sor.u32 s13, s23  }
0xe: {  	s14 =	sor.u32 $0x100, s23;
	s12 =	sor.u32 s23, s16;
	s6 =	sadd.s32 $0xA00, s0  }
0xf: {  	s7 =	sadd.s32 $0x1200, s0;
	s8 =	sadd.s32 $0x1A00, s0;
	s9 =	sadd.s32 $0x2200, s0  }
0x10: {  	s3 =	sshll.u32 s3, $0x4;
	s11 =	sor.u32 s13, s14;
	s12 =	sshll.u32 s12, $0x4  }
0x11: {  	s26 =	sor.u32 s16, s14;
	s0 =	sor.u32 s23, s25;
	s16 =	smax.u32 s2, $0x1  }
0x12: {  	s23 =	simm.s32 $0x14600;
	s10 =	sadd.s32 s15, s3;
	s24 =	sshll.u32 s11, $0x4  }
0x13: {  	s12 =	sadd.s32 s15, s12;
	s3 =	sor.u32 s25, s14;
	s13 =	sshll.u32 s26, $0x4  }
0x14: {  	s0 =	sshll.u32 s0, $0x4;
	s25 =	simm.s32 $0x1;
	s26 =	simm.s32 $0x8600  }
0x15: {  	s11 =	sadd.s32 s15, s24;
	s3 =	sshll.u32 s3, $0x4;
	s13 =	sadd.s32 s15, s13  }
0x16: {  	s14 =	sadd.s32 s15, s0;
	s24 =	simm.s32 $0x14A00;
	s15 =	sadd.s32 s15, s3  }
.LBB2_1:
0x17: {  	[tilespmem:s5], [sflag:$0x3] =	stream.linear.gather [hbm4b:s6+s5], $0x200, $0x38;
	[tilespmem:$0x14C00] =	vst v63  }
0x18: {  	_ =	swait.ge [sflag:s17], $0x200  }
0x19: {  	[sflag:s17] =	ssyncset.done $0x0  }
0x1a: {  	[sflag:s17] =	ssyncadd.s32 $0xFFFFFE00  }
0x1b: {  	[tilespmem:s18], [sflag:$0x3] =	stream.linear.gather [hbm4b:s7+s5], $0x200, $0x38;
	[tilespmem:$0x14C00] =	vst v63  }
0x1c: {  	_ =	swait.ge [sflag:s17], $0x200  }
0x1d: {  	[sflag:s17] =	ssyncset.done $0x0  }
0x1e: {  	[sflag:s17] =	ssyncadd.s32 $0xFFFFFE00  }
0x1f: {  	[tilespmem:s19], [sflag:$0x3] =	stream.linear.gather [hbm4b:s8+s5], $0x200, $0x38;
	[tilespmem:$0x14C00] =	vst v63  }
0x20: {  	_ =	swait.ge [sflag:s17], $0x200  }
0x21: {  	[sflag:s17] =	ssyncset.done $0x0  }
0x22: {  	[sflag:s17] =	ssyncadd.s32 $0xFFFFFE00  }
0x23: {  	[tilespmem:s21], [sflag:$0x1] =	stream.indirect.gather [hbm4b:s1+s20], $0x80, s5, s20, $0xb8;
	[tilespmem:$0x14C00] =	vst v63  }
0x24: {  	s0 =	rddreg [dreg:$0x2]  }
0x25: {  	[tilespmem:s22], [sflag:$0x3] =	stream.linear.gather [hbm4b:s0+s5], $0x4000, $0x38;
	[tilespmem:$0x14C00] =	vst v63  }
0x26: {  	_ =	swait.ge [sflag:s17], $0x4000  }
0x27: {  	[sflag:s17] =	ssyncset.done $0x0  }
0x28: {  	[sflag:s17] =	ssyncadd.s32 $0xFFFFC000  }
0x29: {  	[tilespmem:s23], [sflag:$0x3] =	stream.linear.gather [hbm4b:s4+s5], $0x400, $0x38;
	[tilespmem:$0x14C00] =	vst v63  }
0x2a: {  	_ =	swait.ge [sflag:s17], $0x400  }
0x2b: {  	[sflag:s17] =	ssyncset.done $0x0  }
0x2c: {  	s0 =	simm.s32 $0x0;
	[sflag:s17] =	ssyncadd.s32 $0xFFFFFC00  }
0x2d: {  	v0 =	vld [tilespmem:s0+$0x0];
	_ =	sdelay $0x7  }
0x2e: {  	v0 =	vld.idx.msk [tilespmem:v0+s22+$0x0], $0xffff;
	_ =	sdelay $0x5  }
0x2f: {  	s2 =	simm.s32 $0x10;
	s3 =	simm.s32 $0x80  }
.LBB2_2:
0x30: {  	p0 =	sne.s32 s3, $0x7C0;
	v1 =	vld [tilespmem:s2+$0x0]  }
0x31: {  	v0 =	vld.idx.msk [tilespmem:v0+s23+$0x0], $0xffff;
	_ =	sdelay $0x5  }
0x32: {  	[tilespmem:s0+$0x14A00] =	vst v0;
	s0 =	smov.u32 s2  }
0x33: {  	v0 =	vld.idx.msk [tilespmem:v1+s22+$0x0], $0xffff;
	_ =	sdelay $0x1  }
.Ltmp0:
0x34: {  	(pc) =	sbr.rel @p0 .LBB2_2-.Ltmp0, $2  }
0x35: {  	_ =	sdelay $0x2  }
0x36: {  	s2 =	sshra.s32 s3, $0x2;
	s3 =	sadd.s32 $0x40, s3  }
0x37: {  	_ =	sdelay $0x1  }
0x38: {  	v1 =	vld [tilespmem:s2+$0x0];
	_ =	sdelay $0x1  }
0x39: {  	v0 =	vld.idx.msk [tilespmem:v0+s23+$0x0], $0xffff;
	_ =	sdelay $0x4  }
0x3a: {  	[tilespmem:s0+$0x14A00] =	vst v0  }
0x3b: {  	v0 =	vld.idx.msk [tilespmem:v1+s22+$0x0], $0xffff;
	_ =	sdelay $0x7  }
0x3c: {  	v0 =	vld.idx.msk [tilespmem:v0+s23+$0x0], $0xffff;
	_ =	sdelay $0x4  }
0x3d: {  	[tilespmem:s2+$0x14A00] =	vst v0  }
0x3e: {  	[hbm4b:s9+s5] =	stream.linear.scatter [tilespmem:s24], [sflag:$0x3], $0x200, $0x38;
	[tilespmem:$0x14C00] =	vst v63  }
0x3f: {  	_ =	swait.ge [sflag:s17], $0x200  }
0x40: {  	[sflag:s17] =	ssyncset.done $0x0  }
0x41: {  	[sflag:s17] =	ssyncadd.s32 $0xFFFFFE00  }
0x42: {  	_ =	swait.ge [sflag:s25], $0x8000  }
0x43: {  	[sflag:s25] =	ssyncset.done $0x0  }
0x44: {  	[sflag:s25] =	ssyncadd.s32 $0xFFFF8000  }
0x45: {  	[hbm4b:s10+s5] =	stream.linear.scatter [tilespmem:s21], [sflag:$0x2], $0x8000, $0x38;
	[tilespmem:$0x14C00] =	vst v63  }
0x46: {  	_ = 	snop  }
0x47: {  	[tilespmem:s26], [sflag:$0x1] =	stream.indirect.gather [hbm4b:s1+s20], $0x80, s20, s20, $0xb8;
	[tilespmem:$0x14C00] =	vst v63  }
0x48: {  	_ =	swait.ge [sflag:s25], $0x8000  }
0x49: {  	[sflag:s25] =	ssyncset.done $0x0  }
0x4a: {  	[sflag:s25] =	ssyncadd.s32 $0xFFFF8000  }
0x4b: {  	[hbm4b:s11+s5] =	stream.linear.scatter [tilespmem:s26], [sflag:$0x2], $0x8000, $0x38;
	[tilespmem:$0x14C00] =	vst v63  }
0x4c: {  	_ =	swait.ge [sflag:s28], $0x8000  }
0x4d: {  	[sflag:s28] =	ssyncset.done $0x0  }
0x4e: {  	[sflag:s28] =	ssyncadd.s32 $0xFFFF8000  }
0x4f: {  	[tilespmem:s21], [sflag:$0x1] =	stream.indirect.gather [hbm4b:s1+s20], $0x80, s18, s20, $0xb8;
	[tilespmem:$0x14C00] =	vst v63  }
0x50: {  	_ =	swait.ge [sflag:s25], $0x8000  }
0x51: {  	[sflag:s25] =	ssyncset.done $0x0  }
0x52: {  	[sflag:s25] =	ssyncadd.s32 $0xFFFF8000  }
0x53: {  	[hbm4b:s12+s5] =	stream.linear.scatter [tilespmem:s21], [sflag:$0x2], $0x8000, $0x38;
	[tilespmem:$0x14C00] =	vst v63  }
0x54: {  	_ =	swait.ge [sflag:s28], $0x8000  }
0x55: {  	[sflag:s28] =	ssyncset.done $0x0  }
0x56: {  	[sflag:s28] =	ssyncadd.s32 $0xFFFF8000  }
0x57: {  	[tilespmem:s26], [sflag:$0x1] =	stream.indirect.gather [hbm4b:s1+s20], $0x80, s29, s20, $0xb8;
	[tilespmem:$0x14C00] =	vst v63  }
0x58: {  	_ =	swait.ge [sflag:s25], $0x8000  }
0x59: {  	[sflag:s25] =	ssyncset.done $0x0  }
0x5a: {  	[sflag:s25] =	ssyncadd.s32 $0xFFFF8000  }
0x5b: {  	[hbm4b:s13+s5] =	stream.linear.scatter [tilespmem:s26], [sflag:$0x2], $0x8000, $0x38;
	[tilespmem:$0x14C00] =	vst v63  }
0x5c: {  	_ =	swait.ge [sflag:s28], $0x8000  }
0x5d: {  	[sflag:s28] =	ssyncset.done $0x0  }
0x5e: {  	[sflag:s28] =	ssyncadd.s32 $0xFFFF8000  }
0x5f: {  	[tilespmem:s21], [sflag:$0x1] =	stream.indirect.gather [hbm4b:s1+s20], $0x80, s19, s20, $0xb8;
	[tilespmem:$0x14C00] =	vst v63  }
0x60: {  	_ =	swait.ge [sflag:s25], $0x8000  }
0x61: {  	[sflag:s25] =	ssyncset.done $0x0  }
0x62: {  	[sflag:s25] =	ssyncadd.s32 $0xFFFF8000  }
0x63: {  	[hbm4b:s14+s5] =	stream.linear.scatter [tilespmem:s21], [sflag:$0x2], $0x8000, $0x38;
	[tilespmem:$0x14C00] =	vst v63  }
0x64: {  	_ =	swait.ge [sflag:s28], $0x8000  }
0x65: {  	[sflag:s28] =	ssyncset.done $0x0  }
0x66: {  	[sflag:s28] =	ssyncadd.s32 $0xFFFF8000  }
0x67: {  	[tilespmem:s26], [sflag:$0x1] =	stream.indirect.gather [hbm4b:s1+s20], $0x80, s30, s20, $0xb8;
	[tilespmem:$0x14C00] =	vst v63  }
0x68: {  	_ =	swait.ge [sflag:s25], $0x8000  }
0x69: {  	[sflag:s25] =	ssyncset.done $0x0  }
0x6a: {  	s31 =	sadd.s32 $0x1, s31;
	[sflag:s25] =	ssyncadd.s32 $0xFFFF8000  }
0x6b: {  	[hbm4b:s15+s5] =	stream.linear.scatter [tilespmem:s26], [sflag:$0x2], $0x8000, $0x38;
	[tilespmem:$0x14C00] =	vst v63  }
0x6c: {  	p0 =	sne.s32 s31, s16;
	_ =	swait.ge [sflag:s28], $0x8000  }
.Ltmp1:
0x6d: {  	[sflag:s28] =	ssyncset.done $0x0;
	(pc) =	sbr.rel @p0 .LBB2_1-.Ltmp1, $4  }
0x6e: {  	[sflag:s28] =	ssyncadd.s32 $0xFFFF8000  }
0x6f: {  	_ =	swait.ge [sflag:s28], $0x8000  }
0x70: {  	[sflag:s28] =	ssyncset.done $0x0  }
0x71: {  	[sflag:s28] =	ssyncadd.s32 $0xFFFF8000  }
0x72: {  	_ =	sfence.sel $0x180000  }
0x73: {  	[bflag:$0x0] =	sbarrier.arrive $0xFFFF  }
0x74: {  	_ =	strace $0x90000047  }
0x75: {  	s0 =	stileid.u32;
	[bflag:$0x2] =	sbarrier.arrive $0xFFFF  }
0x76: {  	p0 =	sne.s32 s0, $0x0;
	s0 =	rddreg [dreg:$0x4]  }
0x77: {  	s0 =	sadd.s32 @!p0 $0x100000, s0  }
0x78: {  	[sflag:s0] =	ssyncadd.tile.s32 @!p0 $0x1;
	_ =	shalt  }
.Lfunc_end2:
_tile_overlayer_lowered:
.L_overlay_start_2:
0x79: {  	(tag) =	ssettag $0x2  }
0x7a: {  	s0 =	rddreg [dreg:$0x0];
	s2 =	stileid.u32  }
0x7b: {  	s1 =	rddreg [dreg:$0x1];
	p0 =	sne.s32 s2, $0x0  }
0x7c: {  	s3 =	rddreg [dreg:$0x2];
	[bflag:$0x3] =	sbarrier.arrive $0xFFFF;
	s2 =	simm.s32 @!p0 $0x1C03  }
0x7d: {  	[timem:s3], [sflag:s2] =	dma.local @!p0 [hbm:s0], s1  }
0x7e: {  	s0 =	simm.s32 @!p0 $0x3  }
0x7f: {  	_ =	swait.ge @!p0 [sflag:s0], s1  }
0x80: {  	s1 =	ssub.s32 @!p0 $0x0, s1;
	[sflag:s0] =	ssyncset.done @!p0 $0x0  }
0x81: {  	[sflag:s0] =	ssyncadd.s32 @!p0 s1  }
0x82: {  	[bflag:$0x3] =	sbarrier.arrive $0xFFFF  }
0x83: {  	_ =	shalt  }

</sc_bundles>
